<compile_context>
chip_gen: v7x
topology: tpu7x:2x2x1
jax: 0.10.2.dev20260603
libtpu: 0.0.44.dev20260713+nightly
codegen_flags: <defaults>
</compile_context>

<pallas_src>
import functools

import jax
import jax.numpy as jnp
from jax import lax
from jax.experimental import pallas as pl
from jax.experimental.pallas import tpu as pltpu
from jax.experimental.pallas import tpu_sc as plsc


def _make_argmin_body(M, D, K, ch):
    nch = M // ch

    def _argmin_body(z_hbm, cb_hbm, z2_ref, c2_ref, idx_ref,
                     zb0, zb1, cb_v, csem, s0, s1):
        ccp = pltpu.make_async_copy(cb_hbm, cb_v, csem)
        ccp.start()
        bufs = (zb0, zb1)
        sems = (s0, s1)
        cps = [pltpu.make_async_copy(z_hbm.at[pl.ds(0, ch)], zb0, s0)]
        cps[0].start()
        ccp.wait()
        cb = cb_v[...]
        c2 = c2_ref[...]
        z2 = z2_ref[...]
        rows = ch // 128
        for c in range(nch):
            if c + 1 < nch:
                nxt = pltpu.make_async_copy(
                    z_hbm.at[pl.ds((c + 1) * ch, ch)],
                    bufs[(c + 1) % 2], sems[(c + 1) % 2])
                nxt.start()
                cps.append(nxt)
            cps[c].wait()
            zb = bufs[c % 2][...]
            z2c = z2[:, c * ch:(c + 1) * ch]
            s = lax.dot_general(cb, zb, (((1,), (1,)), ((), ())),
                                preferred_element_type=jnp.float32)
            sq = (z2c + c2) - 2.0 * s
            d = jnp.sqrt(jnp.maximum(sq, 0.0))
            m = jnp.min(d, axis=0, keepdims=True)
            j = lax.broadcasted_iota(jnp.int32, d.shape, 0)
            idx = jnp.min(jnp.where(d == m, j, K), axis=0).astype(jnp.int32)
            idx_ref[pl.ds(c * rows, rows), :] = idx.reshape(rows, 128)

    return _argmin_body


def _compute_indices(zf, codebook, block_m):
    M, D = zf.shape
    K = codebook.shape[0]
    z2 = jnp.sum(zf * zf, axis=-1).reshape(1, M)
    c2 = jnp.sum(codebook * codebook, axis=-1, keepdims=True)
    idx2 = pl.pallas_call(
        _make_argmin_body(M, D, K, block_m),
        in_specs=[
            pl.BlockSpec(memory_space=pl.ANY),
            pl.BlockSpec(memory_space=pl.ANY),
            pl.BlockSpec((1, M), lambda: (0, 0)),
            pl.BlockSpec((K, 1), lambda: (0, 0)),
        ],
        out_specs=pl.BlockSpec((M // 128, 128), lambda: (0, 0)),
        out_shape=jax.ShapeDtypeStruct((M // 128, 128), jnp.int32),
        scratch_shapes=[
            pltpu.VMEM((block_m, D), jnp.float32),
            pltpu.VMEM((block_m, D), jnp.float32),
            pltpu.VMEM((K, D), jnp.float32),
            pltpu.SemaphoreType.DMA,
            pltpu.SemaphoreType.DMA,
            pltpu.SemaphoreType.DMA,
        ],
    )(zf, codebook, z2, c2)
    return idx2.reshape(M)


def _gather_rows(idx, codebook, n_rows, d):
    info = plsc.get_sparse_core_info()
    nc, ns = info.num_cores, info.num_subcores
    nw = nc * ns
    b_per_w = n_rows // nw
    ch = 32
    nch = b_per_w // ch
    mesh = plsc.VectorSubcoreMesh(core_axis_name="c", subcore_axis_name="s")

    @functools.partial(
        pl.kernel,
        mesh=mesh,
        out_type=jax.ShapeDtypeStruct((n_rows, d), jnp.float32),
        scratch_types=[
            pltpu.VMEM((b_per_w,), jnp.int32),
            pltpu.VMEM((ch, d), jnp.float32),
            pltpu.VMEM((ch, d), jnp.float32),
            pltpu.SemaphoreType.DMA,
            pltpu.SemaphoreType.DMA,
            pltpu.SemaphoreType.DMA,
            pltpu.SemaphoreType.DMA,
        ],
    )
    def gather_kernel(idx_hbm, cb_hbm, out_hbm, idx_v, buf0, buf1,
                      gs0, gs1, ws0, ws1):
        wid = lax.axis_index("s") * nc + lax.axis_index("c")
        base = wid * b_per_w
        bufs = (buf0, buf1)
        gsems = (gs0, gs1)
        wsems = (ws0, ws1)
        pltpu.sync_copy(idx_hbm.at[pl.ds(base, b_per_w)], idx_v)

        gathers = [pltpu.async_copy(
            cb_hbm.at[idx_v.at[pl.ds(0, ch)]], bufs[0], gsems[0])]
        writes = []
        for c in range(nch):
            if c + 1 < nch:
                if c >= 1:
                    writes[c - 1].wait()
                gathers.append(pltpu.async_copy(
                    cb_hbm.at[idx_v.at[pl.ds((c + 1) * ch, ch)]],
                    bufs[(c + 1) % 2], gsems[(c + 1) % 2]))
            gathers[c].wait()
            writes.append(pltpu.async_copy(
                bufs[c % 2], out_hbm.at[pl.ds(base + c * ch, ch)],
                wsems[c % 2]))
        writes[nch - 2].wait()
        writes[nch - 1].wait()

    return gather_kernel(idx, codebook)


def kernel(z, codebook):
    b, t, d = z.shape
    zf = z.reshape(b * t, d)
    idx = _compute_indices(zf, codebook, block_m=512)
    quant = _gather_rows(idx, codebook, b * t, d)
    return quant.reshape(b, t, d), idx.reshape(b, t)

# --- scband reference (transcript-rebuilt; emitter-appended) ---
"""Pipeline reference for scband-vqsign-45475113730159 (READ-ONLY COPY).

The authoritative reference and input builder live on the scoring server;
editing this copy changes nothing except your own understanding.
"""

import jax, jax.numpy as jnp
import numpy as np

B, T, D = 16, 256, 1024
K = 256

def setup_inputs(seed: int = 0) -> dict:
    key = jax.random.key(seed)
    k1, k2 = jax.random.split(key)
    z = jax.random.normal(k1, (B, T, D), dtype=jnp.float32)
    codebook = jax.random.uniform(k2, (K, D), dtype=jnp.float32, minval=-1.0 / K, maxval=1.0 / K)
    return {"z": z, "codebook": codebook}

def reference(z, codebook):
    b, t, d = z.shape
    z_flat = z.reshape(-1, d)
    # torch.cdist(z_flat, codebook, p=2): Euclidean distance matrix
    sq = (jnp.sum(z_flat * z_flat, axis=-1, keepdims=True)
          + jnp.sum(codebook * codebook, axis=-1)[None, :]
          - 2.0 * (z_flat @ codebook.T))
    distances = jnp.sqrt(jnp.maximum(sq, 0.0))
    indices = jnp.argmin(distances, axis=-1)
    quantized = jnp.take(codebook, indices, axis=0).reshape(b, t, d)
    return (quantized, indices.reshape(b, t))

if __name__ == "__main__":
    import jax
    _d = setup_inputs()
    print(jax.jit(kernel)(*tuple(_d.values())))

</pallas_src>

<mosaic_0001>
#map = affine_map<(d0, d1) -> (0)>
#map1 = affine_map<(d0, d1) -> (0, 0)>
module attributes {stable_mosaic.version = 14 : i64} {
  func.func @gather_kernel(%arg0: i32, %arg1: i32, %arg2: memref<4096xi32, #tpu.memory_space<hbm>>, %arg3: memref<256x1024xf32, #tpu.memory_space<hbm>>, %arg4: memref<4096x1024xf32, #tpu.memory_space<hbm>>, %arg5: memref<128xi32, #tpu.memory_space<vmem>>, %arg6: memref<32x1024xf32, #tpu.memory_space<vmem>>, %arg7: memref<32x1024xf32, #tpu.memory_space<vmem>>, %arg8: memref<!tpu.dma_semaphore, #tpu.memory_space<semaphore_mem>>, %arg9: memref<!tpu.dma_semaphore, #tpu.memory_space<semaphore_mem>>, %arg10: memref<!tpu.dma_semaphore, #tpu.memory_space<semaphore_mem>>, %arg11: memref<!tpu.dma_semaphore, #tpu.memory_space<semaphore_mem>>) attributes {dimension_semantics = [#tpu.dimension_semantics<core_parallel>, #tpu.dimension_semantics<subcore_parallel>], iteration_bounds = array<i64: 2, 16>, scalar_prefetch = 0 : i64, scratch_operands = 7 : i64, tpu.core_type = #tpu.core_type<sc_vector_subcore>, window_params = [{transform_indices = #map}, {transform_indices = #map1}, {transform_indices = #map1}]} {
    %mul3A = arith.constant 2 : i32
    %mul3A_0 = arith.muli %arg1, %mul3A : i32
    %add3A = arith.addi %mul3A_0, %arg0 : i32
    %mul3A_1 = arith.constant 128 : i32
    %mul3A_2 = arith.muli %add3A, %mul3A_1 : i32
    "tpu.region"() ({
      %run_scoped3A = tpu.sem_alloc : memref<!tpu.dma_semaphore, #tpu.memory_space<semaphore_mem>>
      %dma_start3A_81 = tpu.memref_slice %arg2[%mul3A_2] : memref<4096xi32, #tpu.memory_space<hbm>> -> memref<128xi32, #tpu.memory_space<hbm>>
      %dma_start3A_82 = tpu.memref_slice %arg2[%mul3A_2] : memref<4096xi32, #tpu.memory_space<hbm>> -> memref<128xi32, #tpu.memory_space<hbm>>
      tpu.enqueue_dma source(%dma_start3A_82 : memref<128xi32, #tpu.memory_space<hbm>>) target(%arg5 : memref<128xi32, #tpu.memory_space<vmem>>) target_semaphore(%run_scoped3A : memref<!tpu.dma_semaphore, #tpu.memory_space<semaphore_mem>>)
      %dma_wait3A_83 = tpu.memref_slice %arg2[%mul3A_2] : memref<4096xi32, #tpu.memory_space<hbm>> -> memref<128xi32, #tpu.memory_space<hbm>>
      %dma_wait3A_84 = tpu.memref_slice %arg2[%mul3A_2] : memref<4096xi32, #tpu.memory_space<hbm>> -> memref<128xi32, #tpu.memory_space<hbm>>
      tpu.wait_dma2 semaphore(%run_scoped3A : memref<!tpu.dma_semaphore, #tpu.memory_space<semaphore_mem>>) src(%dma_wait3A_84 : memref<128xi32, #tpu.memory_space<hbm>>) dst(%arg5 : memref<128xi32, #tpu.memory_space<vmem>>)
      tpu.yield
    }) : () -> ()
    %dma_start3A = arith.constant 0 : i32
    %dma_start3A_3 = tpu.memref_slice %arg5[%dma_start3A] : memref<128xi32, #tpu.memory_space<vmem>> -> memref<32xi32, #tpu.memory_space<vmem>>
    %dma_start3A_4 = arith.constant 0 : i32
    %dma_start3A_5 = arith.constant 0 : i32
    %dma_start3A_6 = tpu.memref_slice %arg3[%dma_start3A_4, %dma_start3A_5] : memref<256x1024xf32, #tpu.memory_space<hbm>> -> memref<256x1024xf32, #tpu.memory_space<hbm>>
    tpu.enqueue_indirect_dma source(%dma_start3A_6 : memref<256x1024xf32, #tpu.memory_space<hbm>>) target(%arg6 : memref<32x1024xf32, #tpu.memory_space<vmem>>) offsets(%dma_start3A_3 : memref<32xi32, #tpu.memory_space<vmem>>) semaphore(%arg8 : memref<!tpu.dma_semaphore, #tpu.memory_space<semaphore_mem>>)
    %dma_start3A_7 = arith.constant 32 : i32
    %dma_start3A_8 = tpu.memref_slice %arg5[%dma_start3A_7] : memref<128xi32, #tpu.memory_space<vmem>> -> memref<32xi32, #tpu.memory_space<vmem>>
    %dma_start3A_9 = arith.constant 0 : i32
    %dma_start3A_10 = arith.constant 0 : i32
    %dma_start3A_11 = tpu.memref_slice %arg3[%dma_start3A_9, %dma_start3A_10] : memref<256x1024xf32, #tpu.memory_space<hbm>> -> memref<256x1024xf32, #tpu.memory_space<hbm>>
    tpu.enqueue_indirect_dma source(%dma_start3A_11 : memref<256x1024xf32, #tpu.memory_space<hbm>>) target(%arg7 : memref<32x1024xf32, #tpu.memory_space<vmem>>) offsets(%dma_start3A_8 : memref<32xi32, #tpu.memory_space<vmem>>) semaphore(%arg9 : memref<!tpu.dma_semaphore, #tpu.memory_space<semaphore_mem>>)
    %dma_wait3A = arith.constant 0 : i32
    %dma_wait3A_12 = tpu.memref_slice %arg5[%dma_wait3A] : memref<128xi32, #tpu.memory_space<vmem>> -> memref<32xi32, #tpu.memory_space<vmem>>
    %dma_wait3A_13 = arith.constant 0 : i32
    %dma_wait3A_14 = arith.constant 0 : i32
    %dma_wait3A_15 = tpu.memref_slice %arg3[%dma_wait3A_13, %dma_wait3A_14] : memref<256x1024xf32, #tpu.memory_space<hbm>> -> memref<256x1024xf32, #tpu.memory_space<hbm>>
    tpu.wait_indirect_dma semaphore(%arg8 : memref<!tpu.dma_semaphore, #tpu.memory_space<semaphore_mem>>) src(%dma_wait3A_15 : memref<256x1024xf32, #tpu.memory_space<hbm>>) dst(%arg6 : memref<32x1024xf32, #tpu.memory_space<vmem>>)
    %add3A_16 = arith.constant 0 : i32
    %add3A_17 = arith.addi %mul3A_2, %add3A_16 : i32
    %dma_start3A_18 = arith.constant 0 : i32
    %dma_start3A_19 = tpu.memref_slice %arg4[%add3A_17, %dma_start3A_18] : memref<4096x1024xf32, #tpu.memory_space<hbm>> -> memref<32x1024xf32, #tpu.memory_space<hbm>>
    %dma_start3A_20 = arith.constant 0 : i32
    %dma_start3A_21 = tpu.memref_slice %arg4[%add3A_17, %dma_start3A_20] : memref<4096x1024xf32, #tpu.memory_space<hbm>> -> memref<32x1024xf32, #tpu.memory_space<hbm>>
    tpu.enqueue_dma source(%arg6 : memref<32x1024xf32, #tpu.memory_space<vmem>>) target(%dma_start3A_21 : memref<32x1024xf32, #tpu.memory_space<hbm>>) target_semaphore(%arg10 : memref<!tpu.dma_semaphore, #tpu.memory_space<semaphore_mem>>)
    %dma_wait3A_22 = arith.constant 0 : i32
    %dma_wait3A_23 = tpu.memref_slice %arg4[%add3A_17, %dma_wait3A_22] : memref<4096x1024xf32, #tpu.memory_space<hbm>> -> memref<32x1024xf32, #tpu.memory_space<hbm>>
    %dma_wait3A_24 = arith.constant 0 : i32
    %dma_wait3A_25 = tpu.memref_slice %arg4[%add3A_17, %dma_wait3A_24] : memref<4096x1024xf32, #tpu.memory_space<hbm>> -> memref<32x1024xf32, #tpu.memory_space<hbm>>
    tpu.wait_dma2 semaphore(%arg10 : memref<!tpu.dma_semaphore, #tpu.memory_space<semaphore_mem>>) src(%arg6 : memref<32x1024xf32, #tpu.memory_space<vmem>>) dst(%dma_wait3A_25 : memref<32x1024xf32, #tpu.memory_space<hbm>>)
    %dma_start3A_26 = arith.constant 64 : i32
    %dma_start3A_27 = tpu.memref_slice %arg5[%dma_start3A_26] : memref<128xi32, #tpu.memory_space<vmem>> -> memref<32xi32, #tpu.memory_space<vmem>>
    %dma_start3A_28 = arith.constant 0 : i32
    %dma_start3A_29 = arith.constant 0 : i32
    %dma_start3A_30 = tpu.memref_slice %arg3[%dma_start3A_28, %dma_start3A_29] : memref<256x1024xf32, #tpu.memory_space<hbm>> -> memref<256x1024xf32, #tpu.memory_space<hbm>>
    tpu.enqueue_indirect_dma source(%dma_start3A_30 : memref<256x1024xf32, #tpu.memory_space<hbm>>) target(%arg6 : memref<32x1024xf32, #tpu.memory_space<vmem>>) offsets(%dma_start3A_27 : memref<32xi32, #tpu.memory_space<vmem>>) semaphore(%arg8 : memref<!tpu.dma_semaphore, #tpu.memory_space<semaphore_mem>>)
    %dma_wait3A_31 = arith.constant 32 : i32
    %dma_wait3A_32 = tpu.memref_slice %arg5[%dma_wait3A_31] : memref<128xi32, #tpu.memory_space<vmem>> -> memref<32xi32, #tpu.memory_space<vmem>>
    %dma_wait3A_33 = arith.constant 0 : i32
    %dma_wait3A_34 = arith.constant 0 : i32
    %dma_wait3A_35 = tpu.memref_slice %arg3[%dma_wait3A_33, %dma_wait3A_34] : memref<256x1024xf32, #tpu.memory_space<hbm>> -> memref<256x1024xf32, #tpu.memory_space<hbm>>
    tpu.wait_indirect_dma semaphore(%arg9 : memref<!tpu.dma_semaphore, #tpu.memory_space<semaphore_mem>>) src(%dma_wait3A_35 : memref<256x1024xf32, #tpu.memory_space<hbm>>) dst(%arg7 : memref<32x1024xf32, #tpu.memory_space<vmem>>)
    %add3A_36 = arith.constant 32 : i32
    %add3A_37 = arith.addi %mul3A_2, %add3A_36 : i32
    %dma_start3A_38 = arith.constant 0 : i32
    %dma_start3A_39 = tpu.memref_slice %arg4[%add3A_37, %dma_start3A_38] : memref<4096x1024xf32, #tpu.memory_space<hbm>> -> memref<32x1024xf32, #tpu.memory_space<hbm>>
    %dma_start3A_40 = arith.constant 0 : i32
    %dma_start3A_41 = tpu.memref_slice %arg4[%add3A_37, %dma_start3A_40] : memref<4096x1024xf32, #tpu.memory_space<hbm>> -> memref<32x1024xf32, #tpu.memory_space<hbm>>
    tpu.enqueue_dma source(%arg7 : memref<32x1024xf32, #tpu.memory_space<vmem>>) target(%dma_start3A_41 : memref<32x1024xf32, #tpu.memory_space<hbm>>) target_semaphore(%arg11 : memref<!tpu.dma_semaphore, #tpu.memory_space<semaphore_mem>>)
    %dma_wait3A_42 = arith.constant 0 : i32
    %dma_wait3A_43 = tpu.memref_slice %arg4[%add3A_37, %dma_wait3A_42] : memref<4096x1024xf32, #tpu.memory_space<hbm>> -> memref<32x1024xf32, #tpu.memory_space<hbm>>
    %dma_wait3A_44 = arith.constant 0 : i32
    %dma_wait3A_45 = tpu.memref_slice %arg4[%add3A_37, %dma_wait3A_44] : memref<4096x1024xf32, #tpu.memory_space<hbm>> -> memref<32x1024xf32, #tpu.memory_space<hbm>>
    tpu.wait_dma2 semaphore(%arg11 : memref<!tpu.dma_semaphore, #tpu.memory_space<semaphore_mem>>) src(%arg7 : memref<32x1024xf32, #tpu.memory_space<vmem>>) dst(%dma_wait3A_45 : memref<32x1024xf32, #tpu.memory_space<hbm>>)
    %dma_start3A_46 = arith.constant 96 : i32
    %dma_start3A_47 = tpu.memref_slice %arg5[%dma_start3A_46] : memref<128xi32, #tpu.memory_space<vmem>> -> memref<32xi32, #tpu.memory_space<vmem>>
    %dma_start3A_48 = arith.constant 0 : i32
    %dma_start3A_49 = arith.constant 0 : i32
    %dma_start3A_50 = tpu.memref_slice %arg3[%dma_start3A_48, %dma_start3A_49] : memref<256x1024xf32, #tpu.memory_space<hbm>> -> memref<256x1024xf32, #tpu.memory_space<hbm>>
    tpu.enqueue_indirect_dma source(%dma_start3A_50 : memref<256x1024xf32, #tpu.memory_space<hbm>>) target(%arg7 : memref<32x1024xf32, #tpu.memory_space<vmem>>) offsets(%dma_start3A_47 : memref<32xi32, #tpu.memory_space<vmem>>) semaphore(%arg9 : memref<!tpu.dma_semaphore, #tpu.memory_space<semaphore_mem>>)
    %dma_wait3A_51 = arith.constant 64 : i32
    %dma_wait3A_52 = tpu.memref_slice %arg5[%dma_wait3A_51] : memref<128xi32, #tpu.memory_space<vmem>> -> memref<32xi32, #tpu.memory_space<vmem>>
    %dma_wait3A_53 = arith.constant 0 : i32
    %dma_wait3A_54 = arith.constant 0 : i32
    %dma_wait3A_55 = tpu.memref_slice %arg3[%dma_wait3A_53, %dma_wait3A_54] : memref<256x1024xf32, #tpu.memory_space<hbm>> -> memref<256x1024xf32, #tpu.memory_space<hbm>>
    tpu.wait_indirect_dma semaphore(%arg8 : memref<!tpu.dma_semaphore, #tpu.memory_space<semaphore_mem>>) src(%dma_wait3A_55 : memref<256x1024xf32, #tpu.memory_space<hbm>>) dst(%arg6 : memref<32x1024xf32, #tpu.memory_space<vmem>>)
    %add3A_56 = arith.constant 64 : i32
    %add3A_57 = arith.addi %mul3A_2, %add3A_56 : i32
    %dma_start3A_58 = arith.constant 0 : i32
    %dma_start3A_59 = tpu.memref_slice %arg4[%add3A_57, %dma_start3A_58] : memref<4096x1024xf32, #tpu.memory_space<hbm>> -> memref<32x1024xf32, #tpu.memory_space<hbm>>
    %dma_start3A_60 = arith.constant 0 : i32
    %dma_start3A_61 = tpu.memref_slice %arg4[%add3A_57, %dma_start3A_60] : memref<4096x1024xf32, #tpu.memory_space<hbm>> -> memref<32x1024xf32, #tpu.memory_space<hbm>>
    tpu.enqueue_dma source(%arg6 : memref<32x1024xf32, #tpu.memory_space<vmem>>) target(%dma_start3A_61 : memref<32x1024xf32, #tpu.memory_space<hbm>>) target_semaphore(%arg10 : memref<!tpu.dma_semaphore, #tpu.memory_space<semaphore_mem>>)
    %dma_wait3A_62 = arith.constant 96 : i32
    %dma_wait3A_63 = tpu.memref_slice %arg5[%dma_wait3A_62] : memref<128xi32, #tpu.memory_space<vmem>> -> memref<32xi32, #tpu.memory_space<vmem>>
    %dma_wait3A_64 = arith.constant 0 : i32
    %dma_wait3A_65 = arith.constant 0 : i32
    %dma_wait3A_66 = tpu.memref_slice %arg3[%dma_wait3A_64, %dma_wait3A_65] : memref<256x1024xf32, #tpu.memory_space<hbm>> -> memref<256x1024xf32, #tpu.memory_space<hbm>>
    tpu.wait_indirect_dma semaphore(%arg9 : memref<!tpu.dma_semaphore, #tpu.memory_space<semaphore_mem>>) src(%dma_wait3A_66 : memref<256x1024xf32, #tpu.memory_space<hbm>>) dst(%arg7 : memref<32x1024xf32, #tpu.memory_space<vmem>>)
    %add3A_67 = arith.constant 96 : i32
    %add3A_68 = arith.addi %mul3A_2, %add3A_67 : i32
    %dma_start3A_69 = arith.constant 0 : i32
    %dma_start3A_70 = tpu.memref_slice %arg4[%add3A_68, %dma_start3A_69] : memref<4096x1024xf32, #tpu.memory_space<hbm>> -> memref<32x1024xf32, #tpu.memory_space<hbm>>
    %dma_start3A_71 = arith.constant 0 : i32
    %dma_start3A_72 = tpu.memref_slice %arg4[%add3A_68, %dma_start3A_71] : memref<4096x1024xf32, #tpu.memory_space<hbm>> -> memref<32x1024xf32, #tpu.memory_space<hbm>>
    tpu.enqueue_dma source(%arg7 : memref<32x1024xf32, #tpu.memory_space<vmem>>) target(%dma_start3A_72 : memref<32x1024xf32, #tpu.memory_space<hbm>>) target_semaphore(%arg11 : memref<!tpu.dma_semaphore, #tpu.memory_space<semaphore_mem>>)
    %dma_wait3A_73 = arith.constant 0 : i32
    %dma_wait3A_74 = tpu.memref_slice %arg4[%add3A_57, %dma_wait3A_73] : memref<4096x1024xf32, #tpu.memory_space<hbm>> -> memref<32x1024xf32, #tpu.memory_space<hbm>>
    %dma_wait3A_75 = arith.constant 0 : i32
    %dma_wait3A_76 = tpu.memref_slice %arg4[%add3A_57, %dma_wait3A_75] : memref<4096x1024xf32, #tpu.memory_space<hbm>> -> memref<32x1024xf32, #tpu.memory_space<hbm>>
    tpu.wait_dma2 semaphore(%arg10 : memref<!tpu.dma_semaphore, #tpu.memory_space<semaphore_mem>>) src(%arg6 : memref<32x1024xf32, #tpu.memory_space<vmem>>) dst(%dma_wait3A_76 : memref<32x1024xf32, #tpu.memory_space<hbm>>)
    %dma_wait3A_77 = arith.constant 0 : i32
    %dma_wait3A_78 = tpu.memref_slice %arg4[%add3A_68, %dma_wait3A_77] : memref<4096x1024xf32, #tpu.memory_space<hbm>> -> memref<32x1024xf32, #tpu.memory_space<hbm>>
    %dma_wait3A_79 = arith.constant 0 : i32
    %dma_wait3A_80 = tpu.memref_slice %arg4[%add3A_68, %dma_wait3A_79] : memref<4096x1024xf32, #tpu.memory_space<hbm>> -> memref<32x1024xf32, #tpu.memory_space<hbm>>
    tpu.wait_dma2 semaphore(%arg11 : memref<!tpu.dma_semaphore, #tpu.memory_space<semaphore_mem>>) src(%arg7 : memref<32x1024xf32, #tpu.memory_space<vmem>>) dst(%dma_wait3A_80 : memref<32x1024xf32, #tpu.memory_space<hbm>>)
    return
  }
}

module attributes {stable_mosaic.version = 14 : i64} {
  func.func @_argmin_body(%arg0: memref<4096x1024xf32, #tpu.memory_space<any>>, %arg1: memref<256x1024xf32, #tpu.memory_space<any>>, %arg2: memref<1x4096xf32, #tpu.memory_space<vmem>>, %arg3: memref<256x1xf32, #tpu.memory_space<vmem>>, %arg4: memref<32x128xi32, #tpu.memory_space<vmem>>, %arg5: memref<512x1024xf32, #tpu.memory_space<vmem>>, %arg6: memref<512x1024xf32, #tpu.memory_space<vmem>>, %arg7: memref<256x1024xf32, #tpu.memory_space<vmem>>, %arg8: memref<!tpu.dma_semaphore, #tpu.memory_space<semaphore_mem>>, %arg9: memref<!tpu.dma_semaphore, #tpu.memory_space<semaphore_mem>>, %arg10: memref<!tpu.dma_semaphore, #tpu.memory_space<semaphore_mem>>) attributes {dimension_semantics = [], scalar_prefetch = 0 : i64, scratch_operands = 6 : i64, tpu.core_type = #tpu.core_type<tc>} {
    tpu.enqueue_dma source(%arg1 : memref<256x1024xf32, #tpu.memory_space<any>>) target(%arg7 : memref<256x1024xf32, #tpu.memory_space<vmem>>) target_semaphore(%arg8 : memref<!tpu.dma_semaphore, #tpu.memory_space<semaphore_mem>>)
    %dma_start3A = arith.constant 0 : i32
    %dma_start3A_0 = arith.constant 0 : i32
    %dma_start3A_1 = tpu.memref_slice %arg0[%dma_start3A, %dma_start3A_0] : memref<4096x1024xf32, #tpu.memory_space<any>> -> memref<512x1024xf32, #tpu.memory_space<any>>
    tpu.enqueue_dma source(%dma_start3A_1 : memref<512x1024xf32, #tpu.memory_space<any>>) target(%arg5 : memref<512x1024xf32, #tpu.memory_space<vmem>>) target_semaphore(%arg9 : memref<!tpu.dma_semaphore, #tpu.memory_space<semaphore_mem>>)
    tpu.wait_dma2 semaphore(%arg8 : memref<!tpu.dma_semaphore, #tpu.memory_space<semaphore_mem>>) src(%arg1 : memref<256x1024xf32, #tpu.memory_space<any>>) dst(%arg7 : memref<256x1024xf32, #tpu.memory_space<vmem>>)
    %get3A = arith.constant 0 : index
    %get3A_2 = arith.constant 0 : index
    %get3A_3 = vector.load %arg7[%get3A, %get3A_2] : memref<256x1024xf32, #tpu.memory_space<vmem>>, vector<256x1024xf32>
    %get3A_4 = arith.constant 0 : index
    %get3A_5 = arith.constant 0 : index
    %get3A_6 = vector.load %arg3[%get3A_4, %get3A_5] : memref<256x1xf32, #tpu.memory_space<vmem>>, vector<256x1xf32>
    %get3A_7 = arith.constant 0 : index
    %get3A_8 = arith.constant 0 : index
    %get3A_9 = vector.load %arg2[%get3A_7, %get3A_8] : memref<1x4096xf32, #tpu.memory_space<vmem>>, vector<1x4096xf32>
    %dma_start3A_10 = arith.constant 512 : i32
    %dma_start3A_11 = arith.constant 0 : i32
    %dma_start3A_12 = tpu.memref_slice %arg0[%dma_start3A_10, %dma_start3A_11] : memref<4096x1024xf32, #tpu.memory_space<any>> -> memref<512x1024xf32, #tpu.memory_space<any>>
    tpu.enqueue_dma source(%dma_start3A_12 : memref<512x1024xf32, #tpu.memory_space<any>>) target(%arg6 : memref<512x1024xf32, #tpu.memory_space<vmem>>) target_semaphore(%arg10 : memref<!tpu.dma_semaphore, #tpu.memory_space<semaphore_mem>>)
    %dma_wait3A = arith.constant 0 : i32
    %dma_wait3A_13 = arith.constant 0 : i32
    %dma_wait3A_14 = tpu.memref_slice %arg0[%dma_wait3A, %dma_wait3A_13] : memref<4096x1024xf32, #tpu.memory_space<any>> -> memref<512x1024xf32, #tpu.memory_space<any>>
    tpu.wait_dma2 semaphore(%arg9 : memref<!tpu.dma_semaphore, #tpu.memory_space<semaphore_mem>>) src(%dma_wait3A_14 : memref<512x1024xf32, #tpu.memory_space<any>>) dst(%arg5 : memref<512x1024xf32, #tpu.memory_space<vmem>>)
    %get3A_15 = arith.constant 0 : index
    %get3A_16 = arith.constant 0 : index
    %get3A_17 = vector.load %arg5[%get3A_15, %get3A_16] : memref<512x1024xf32, #tpu.memory_space<vmem>>, vector<512x1024xf32>
    %slice3A = vector.extract_strided_slice %get3A_9 {offsets = [0, 0], sizes = [1, 512], strides = [1, 1]} : vector<1x4096xf32> to vector<1x512xf32>
    %dot_general3A = arith.constant dense<0.000000e+00> : vector<256x512xf32>
    %dot_general3A_18 = tpu.matmul %get3A_3, %get3A_17, %dot_general3A {dimension_numbers = #tpu.dot_dimension_numbers<[1], [1], [0], [0], [0, 0, 1, 0], [], []>, transpose_lhs_hint = false} : vector<256x1024xf32>, vector<512x1024xf32>, vector<256x512xf32> -> vector<256x512xf32>
    %add3A = vector.broadcast %slice3A : vector<1x512xf32> to vector<256x512xf32>
    %add3A_19 = vector.broadcast %get3A_6 : vector<256x1xf32> to vector<256x512xf32>
    %add3A_20 = arith.addf %add3A, %add3A_19 : vector<256x512xf32>
    %mul3A = arith.constant 2.000000e+00 : f32
    %mul3A_21 = vector.broadcast %mul3A : f32 to vector<256x512xf32>
    %mul3A_22 = arith.mulf %mul3A_21, %dot_general3A_18 : vector<256x512xf32>
    %sub3A = arith.subf %add3A_20, %mul3A_22 : vector<256x512xf32>
    %max3A = arith.constant 0.000000e+00 : f32
    %max3A_23 = vector.broadcast %max3A : f32 to vector<256x512xf32>
    %max3A_24 = arith.maximumf %sub3A, %max3A_23 : vector<256x512xf32>
    %sqrt3A = math.sqrt %max3A_24 : vector<256x512xf32>
    %reduce_min3A = arith.constant dense<0x7F800000> : vector<512xf32>
    %reduce_min3A_25 = vector.multi_reduction <minimumf>, %sqrt3A, %reduce_min3A [0] : vector<256x512xf32> to vector<512xf32>
    %broadcast_in_dim3A = vector.shape_cast %reduce_min3A_25 : vector<512xf32> to vector<1x512xf32>
    %iota3A = tpu.iota {dimensions = array<i32: 0>} : vector<256x512xi32>
    %eq3A = vector.broadcast %broadcast_in_dim3A : vector<1x512xf32> to vector<256x512xf32>
    %eq3A_26 = arith.cmpf oeq, %sqrt3A, %eq3A : vector<256x512xf32>
    %jit3A = arith.constant 256 : i32
    %broadcast_in_dim3A_27 = vector.broadcast %jit3A : i32 to vector<256x512xi32>
    %select_n3A = arith.select %eq3A_26, %iota3A, %broadcast_in_dim3A_27 : vector<256x512xi1>, vector<256x512xi32>
    %reduce_min3A_28 = arith.constant dense<2147483647> : vector<512xi32>
    %reduce_min3A_29 = vector.multi_reduction <minsi>, %select_n3A, %reduce_min3A_28 [0] : vector<256x512xi32> to vector<512xi32>
    %reshape3A = vector.shape_cast %reduce_min3A_29 : vector<512xi32> to vector<4x128xi32>
    %swap3A = arith.constant 0 : index
    %swap3A_30 = arith.constant 0 : index
    %swap3A_31 = vector.load %arg4[%swap3A, %swap3A_30] : memref<32x128xi32, #tpu.memory_space<vmem>>, vector<4x128xi32>
    tpu.vector_store %arg4[%swap3A, %swap3A_30], %reshape3A {strides = array<i32>} : memref<32x128xi32, #tpu.memory_space<vmem>>, vector<4x128xi32>,
    %dma_start3A_32 = arith.constant 1024 : i32
    %dma_start3A_33 = arith.constant 0 : i32
    %dma_start3A_34 = tpu.memref_slice %arg0[%dma_start3A_32, %dma_start3A_33] : memref<4096x1024xf32, #tpu.memory_space<any>> -> memref<512x1024xf32, #tpu.memory_space<any>>
    tpu.enqueue_dma source(%dma_start3A_34 : memref<512x1024xf32, #tpu.memory_space<any>>) target(%arg5 : memref<512x1024xf32, #tpu.memory_space<vmem>>) target_semaphore(%arg9 : memref<!tpu.dma_semaphore, #tpu.memory_space<semaphore_mem>>)
    %dma_wait3A_35 = arith.constant 512 : i32
    %dma_wait3A_36 = arith.constant 0 : i32
    %dma_wait3A_37 = tpu.memref_slice %arg0[%dma_wait3A_35, %dma_wait3A_36] : memref<4096x1024xf32, #tpu.memory_space<any>> -> memref<512x1024xf32, #tpu.memory_space<any>>
    tpu.wait_dma2 semaphore(%arg10 : memref<!tpu.dma_semaphore, #tpu.memory_space<semaphore_mem>>) src(%dma_wait3A_37 : memref<512x1024xf32, #tpu.memory_space<any>>) dst(%arg6 : memref<512x1024xf32, #tpu.memory_space<vmem>>)
    %get3A_38 = arith.constant 0 : index
    %get3A_39 = arith.constant 0 : index
    %get3A_40 = vector.load %arg6[%get3A_38, %get3A_39] : memref<512x1024xf32, #tpu.memory_space<vmem>>, vector<512x1024xf32>
    %slice3A_41 = vector.extract_strided_slice %get3A_9 {offsets = [0, 512], sizes = [1, 512], strides = [1, 1]} : vector<1x4096xf32> to vector<1x512xf32>
    %dot_general3A_42 = arith.constant dense<0.000000e+00> : vector<256x512xf32>
    %dot_general3A_43 = tpu.matmul %get3A_3, %get3A_40, %dot_general3A_42 {dimension_numbers = #tpu.dot_dimension_numbers<[1], [1], [0], [0], [0, 0, 1, 0], [], []>, transpose_lhs_hint = false} : vector<256x1024xf32>, vector<512x1024xf32>, vector<256x512xf32> -> vector<256x512xf32>
    %add3A_44 = vector.broadcast %slice3A_41 : vector<1x512xf32> to vector<256x512xf32>
    %add3A_45 = vector.broadcast %get3A_6 : vector<256x1xf32> to vector<256x512xf32>
    %add3A_46 = arith.addf %add3A_44, %add3A_45 : vector<256x512xf32>
    %mul3A_47 = arith.constant 2.000000e+00 : f32
    %mul3A_48 = vector.broadcast %mul3A_47 : f32 to vector<256x512xf32>
    %mul3A_49 = arith.mulf %mul3A_48, %dot_general3A_43 : vector<256x512xf32>
    %sub3A_50 = arith.subf %add3A_46, %mul3A_49 : vector<256x512xf32>
    %max3A_51 = arith.constant 0.000000e+00 : f32
    %max3A_52 = vector.broadcast %max3A_51 : f32 to vector<256x512xf32>
    %max3A_53 = arith.maximumf %sub3A_50, %max3A_52 : vector<256x512xf32>
    %sqrt3A_54 = math.sqrt %max3A_53 : vector<256x512xf32>
    %reduce_min3A_55 = arith.constant dense<0x7F800000> : vector<512xf32>
    %reduce_min3A_56 = vector.multi_reduction <minimumf>, %sqrt3A_54, %reduce_min3A_55 [0] : vector<256x512xf32> to vector<512xf32>
    %broadcast_in_dim3A_57 = vector.shape_cast %reduce_min3A_56 : vector<512xf32> to vector<1x512xf32>
    %iota3A_58 = tpu.iota {dimensions = array<i32: 0>} : vector<256x512xi32>
    %eq3A_59 = vector.broadcast %broadcast_in_dim3A_57 : vector<1x512xf32> to vector<256x512xf32>
    %eq3A_60 = arith.cmpf oeq, %sqrt3A_54, %eq3A_59 : vector<256x512xf32>
    %jit3A_61 = arith.constant 256 : i32
    %broadcast_in_dim3A_62 = vector.broadcast %jit3A_61 : i32 to vector<256x512xi32>
    %select_n3A_63 = arith.select %eq3A_60, %iota3A_58, %broadcast_in_dim3A_62 : vector<256x512xi1>, vector<256x512xi32>
    %reduce_min3A_64 = arith.constant dense<2147483647> : vector<512xi32>
    %reduce_min3A_65 = vector.multi_reduction <minsi>, %select_n3A_63, %reduce_min3A_64 [0] : vector<256x512xi32> to vector<512xi32>
    %reshape3A_66 = vector.shape_cast %reduce_min3A_65 : vector<512xi32> to vector<4x128xi32>
    %swap3A_67 = arith.constant 4 : index
    %swap3A_68 = arith.constant 0 : index
    %swap3A_69 = vector.load %arg4[%swap3A_67, %swap3A_68] : memref<32x128xi32, #tpu.memory_space<vmem>>, vector<4x128xi32>
    tpu.vector_store %arg4[%swap3A_67, %swap3A_68], %reshape3A_66 {strides = array<i32>} : memref<32x128xi32, #tpu.memory_space<vmem>>, vector<4x128xi32>,
    %dma_start3A_70 = arith.constant 1536 : i32
    %dma_start3A_71 = arith.constant 0 : i32
    %dma_start3A_72 = tpu.memref_slice %arg0[%dma_start3A_70, %dma_start3A_71] : memref<4096x1024xf32, #tpu.memory_space<any>> -> memref<512x1024xf32, #tpu.memory_space<any>>
    tpu.enqueue_dma source(%dma_start3A_72 : memref<512x1024xf32, #tpu.memory_space<any>>) target(%arg6 : memref<512x1024xf32, #tpu.memory_space<vmem>>) target_semaphore(%arg10 : memref<!tpu.dma_semaphore, #tpu.memory_space<semaphore_mem>>)
    %dma_wait3A_73 = arith.constant 1024 : i32
    %dma_wait3A_74 = arith.constant 0 : i32
    %dma_wait3A_75 = tpu.memref_slice %arg0[%dma_wait3A_73, %dma_wait3A_74] : memref<4096x1024xf32, #tpu.memory_space<any>> -> memref<512x1024xf32, #tpu.memory_space<any>>
    tpu.wait_dma2 semaphore(%arg9 : memref<!tpu.dma_semaphore, #tpu.memory_space<semaphore_mem>>) src(%dma_wait3A_75 : memref<512x1024xf32, #tpu.memory_space<any>>) dst(%arg5 : memref<512x1024xf32, #tpu.memory_space<vmem>>)
    %get3A_76 = arith.constant 0 : index
    %get3A_77 = arith.constant 0 : index
    %get3A_78 = vector.load %arg5[%get3A_76, %get3A_77] : memref<512x1024xf32, #tpu.memory_space<vmem>>, vector<512x1024xf32>
    %slice3A_79 = vector.extract_strided_slice %get3A_9 {offsets = [0, 1024], sizes = [1, 512], strides = [1, 1]} : vector<1x4096xf32> to vector<1x512xf32>
    %dot_general3A_80 = arith.constant dense<0.000000e+00> : vector<256x512xf32>
    %dot_general3A_81 = tpu.matmul %get3A_3, %get3A_78, %dot_general3A_80 {dimension_numbers = #tpu.dot_dimension_numbers<[1], [1], [0], [0], [0, 0, 1, 0], [], []>, transpose_lhs_hint = false} : vector<256x1024xf32>, vector<512x1024xf32>, vector<256x512xf32> -> vector<256x512xf32>
    %add3A_82 = vector.broadcast %slice3A_79 : vector<1x512xf32> to vector<256x512xf32>
    %add3A_83 = vector.broadcast %get3A_6 : vector<256x1xf32> to vector<256x512xf32>
    %add3A_84 = arith.addf %add3A_82, %add3A_83 : vector<256x512xf32>
    %mul3A_85 = arith.constant 2.000000e+00 : f32
    %mul3A_86 = vector.broadcast %mul3A_85 : f32 to vector<256x512xf32>
    %mul3A_87 = arith.mulf %mul3A_86, %dot_general3A_81 : vector<256x512xf32>
    %sub3A_88 = arith.subf %add3A_84, %mul3A_87 : vector<256x512xf32>
    %max3A_89 = arith.constant 0.000000e+00 : f32
    %max3A_90 = vector.broadcast %max3A_89 : f32 to vector<256x512xf32>
    %max3A_91 = arith.maximumf %sub3A_88, %max3A_90 : vector<256x512xf32>
    %sqrt3A_92 = math.sqrt %max3A_91 : vector<256x512xf32>
    %reduce_min3A_93 = arith.constant dense<0x7F800000> : vector<512xf32>
    %reduce_min3A_94 = vector.multi_reduction <minimumf>, %sqrt3A_92, %reduce_min3A_93 [0] : vector<256x512xf32> to vector<512xf32>
    %broadcast_in_dim3A_95 = vector.shape_cast %reduce_min3A_94 : vector<512xf32> to vector<1x512xf32>
    %iota3A_96 = tpu.iota {dimensions = array<i32: 0>} : vector<256x512xi32>
    %eq3A_97 = vector.broadcast %broadcast_in_dim3A_95 : vector<1x512xf32> to vector<256x512xf32>
    %eq3A_98 = arith.cmpf oeq, %sqrt3A_92, %eq3A_97 : vector<256x512xf32>
    %jit3A_99 = arith.constant 256 : i32
    %broadcast_in_dim3A_100 = vector.broadcast %jit3A_99 : i32 to vector<256x512xi32>
    %select_n3A_101 = arith.select %eq3A_98, %iota3A_96, %broadcast_in_dim3A_100 : vector<256x512xi1>, vector<256x512xi32>
    %reduce_min3A_102 = arith.constant dense<2147483647> : vector<512xi32>
    %reduce_min3A_103 = vector.multi_reduction <minsi>, %select_n3A_101, %reduce_min3A_102 [0] : vector<256x512xi32> to vector<512xi32>
    %reshape3A_104 = vector.shape_cast %reduce_min3A_103 : vector<512xi32> to vector<4x128xi32>
    %swap3A_105 = arith.constant 8 : index
    %swap3A_106 = arith.constant 0 : index
    %swap3A_107 = vector.load %arg4[%swap3A_105, %swap3A_106] : memref<32x128xi32, #tpu.memory_space<vmem>>, vector<4x128xi32>
    tpu.vector_store %arg4[%swap3A_105, %swap3A_106], %reshape3A_104 {strides = array<i32>} : memref<32x128xi32, #tpu.memory_space<vmem>>, vector<4x128xi32>,
    %dma_start3A_108 = arith.constant 2048 : i32
    %dma_start3A_109 = arith.constant 0 : i32
    %dma_start3A_110 = tpu.memref_slice %arg0[%dma_start3A_108, %dma_start3A_109] : memref<4096x1024xf32, #tpu.memory_space<any>> -> memref<512x1024xf32, #tpu.memory_space<any>>
    tpu.enqueue_dma source(%dma_start3A_110 : memref<512x1024xf32, #tpu.memory_space<any>>) target(%arg5 : memref<512x1024xf32, #tpu.memory_space<vmem>>) target_semaphore(%arg9 : memref<!tpu.dma_semaphore, #tpu.memory_space<semaphore_mem>>)
    %dma_wait3A_111 = arith.constant 1536 : i32
    %dma_wait3A_112 = arith.constant 0 : i32
    %dma_wait3A_113 = tpu.memref_slice %arg0[%dma_wait3A_111, %dma_wait3A_112] : memref<4096x1024xf32, #tpu.memory_space<any>> -> memref<512x1024xf32, #tpu.memory_space<any>>
    tpu.wait_dma2 semaphore(%arg10 : memref<!tpu.dma_semaphore, #tpu.memory_space<semaphore_mem>>) src(%dma_wait3A_113 : memref<512x1024xf32, #tpu.memory_space<any>>) dst(%arg6 : memref<512x1024xf32, #tpu.memory_space<vmem>>)
    %get3A_114 = arith.constant 0 : index
    %get3A_115 = arith.constant 0 : index
    %get3A_116 = vector.load %arg6[%get3A_114, %get3A_115] : memref<512x1024xf32, #tpu.memory_space<vmem>>, vector<512x1024xf32>
    %slice3A_117 = vector.extract_strided_slice %get3A_9 {offsets = [0, 1536], sizes = [1, 512], strides = [1, 1]} : vector<1x4096xf32> to vector<1x512xf32>
    %dot_general3A_118 = arith.constant dense<0.000000e+00> : vector<256x512xf32>
    %dot_general3A_119 = tpu.matmul %get3A_3, %get3A_116, %dot_general3A_118 {dimension_numbers = #tpu.dot_dimension_numbers<[1], [1], [0], [0], [0, 0, 1, 0], [], []>, transpose_lhs_hint = false} : vector<256x1024xf32>, vector<512x1024xf32>, vector<256x512xf32> -> vector<256x512xf32>
    %add3A_120 = vector.broadcast %slice3A_117 : vector<1x512xf32> to vector<256x512xf32>
    %add3A_121 = vector.broadcast %get3A_6 : vector<256x1xf32> to vector<256x512xf32>
    %add3A_122 = arith.addf %add3A_120, %add3A_121 : vector<256x512xf32>
    %mul3A_123 = arith.constant 2.000000e+00 : f32
    %mul3A_124 = vector.broadcast %mul3A_123 : f32 to vector<256x512xf32>
    %mul3A_125 = arith.mulf %mul3A_124, %dot_general3A_119 : vector<256x512xf32>
    %sub3A_126 = arith.subf %add3A_122, %mul3A_125 : vector<256x512xf32>
    %max3A_127 = arith.constant 0.000000e+00 : f32
    %max3A_128 = vector.broadcast %max3A_127 : f32 to vector<256x512xf32>
    %max3A_129 = arith.maximumf %sub3A_126, %max3A_128 : vector<256x512xf32>
    %sqrt3A_130 = math.sqrt %max3A_129 : vector<256x512xf32>
    %reduce_min3A_131 = arith.constant dense<0x7F800000> : vector<512xf32>
    %reduce_min3A_132 = vector.multi_reduction <minimumf>, %sqrt3A_130, %reduce_min3A_131 [0] : vector<256x512xf32> to vector<512xf32>
    %broadcast_in_dim3A_133 = vector.shape_cast %reduce_min3A_132 : vector<512xf32> to vector<1x512xf32>
    %iota3A_134 = tpu.iota {dimensions = array<i32: 0>} : vector<256x512xi32>
    %eq3A_135 = vector.broadcast %broadcast_in_dim3A_133 : vector<1x512xf32> to vector<256x512xf32>
    %eq3A_136 = arith.cmpf oeq, %sqrt3A_130, %eq3A_135 : vector<256x512xf32>
    %jit3A_137 = arith.constant 256 : i32
    %broadcast_in_dim3A_138 = vector.broadcast %jit3A_137 : i32 to vector<256x512xi32>
    %select_n3A_139 = arith.select %eq3A_136, %iota3A_134, %broadcast_in_dim3A_138 : vector<256x512xi1>, vector<256x512xi32>
    %reduce_min3A_140 = arith.constant dense<2147483647> : vector<512xi32>
    %reduce_min3A_141 = vector.multi_reduction <minsi>, %select_n3A_139, %reduce_min3A_140 [0] : vector<256x512xi32> to vector<512xi32>
    %reshape3A_142 = vector.shape_cast %reduce_min3A_141 : vector<512xi32> to vector<4x128xi32>
    %swap3A_143 = arith.constant 12 : index
    %swap3A_144 = arith.constant 0 : index
    %swap3A_145 = vector.load %arg4[%swap3A_143, %swap3A_144] : memref<32x128xi32, #tpu.memory_space<vmem>>, vector<4x128xi32>
    tpu.vector_store %arg4[%swap3A_143, %swap3A_144], %reshape3A_142 {strides = array<i32>} : memref<32x128xi32, #tpu.memory_space<vmem>>, vector<4x128xi32>,
    %dma_start3A_146 = arith.constant 2560 : i32
    %dma_start3A_147 = arith.constant 0 : i32
    %dma_start3A_148 = tpu.memref_slice %arg0[%dma_start3A_146, %dma_start3A_147] : memref<4096x1024xf32, #tpu.memory_space<any>> -> memref<512x1024xf32, #tpu.memory_space<any>>
    tpu.enqueue_dma source(%dma_start3A_148 : memref<512x1024xf32, #tpu.memory_space<any>>) target(%arg6 : memref<512x1024xf32, #tpu.memory_space<vmem>>) target_semaphore(%arg10 : memref<!tpu.dma_semaphore, #tpu.memory_space<semaphore_mem>>)
    %dma_wait3A_149 = arith.constant 2048 : i32
    %dma_wait3A_150 = arith.constant 0 : i32
    %dma_wait3A_151 = tpu.memref_slice %arg0[%dma_wait3A_149, %dma_wait3A_150] : memref<4096x1024xf32, #tpu.memory_space<any>> -> memref<512x1024xf32, #tpu.memory_space<any>>
    tpu.wait_dma2 semaphore(%arg9 : memref<!tpu.dma_semaphore, #tpu.memory_space<semaphore_mem>>) src(%dma_wait3A_151 : memref<512x1024xf32, #tpu.memory_space<any>>) dst(%arg5 : memref<512x1024xf32, #tpu.memory_space<vmem>>)
    %get3A_152 = arith.constant 0 : index
    %get3A_153 = arith.constant 0 : index
    %get3A_154 = vector.load %arg5[%get3A_152, %get3A_153] : memref<512x1024xf32, #tpu.memory_space<vmem>>, vector<512x1024xf32>
    %slice3A_155 = vector.extract_strided_slice %get3A_9 {offsets = [0, 2048], sizes = [1, 512], strides = [1, 1]} : vector<1x4096xf32> to vector<1x512xf32>
    %dot_general3A_156 = arith.constant dense<0.000000e+00> : vector<256x512xf32>
    %dot_general3A_157 = tpu.matmul %get3A_3, %get3A_154, %dot_general3A_156 {dimension_numbers = #tpu.dot_dimension_numbers<[1], [1], [0], [0], [0, 0, 1, 0], [], []>, transpose_lhs_hint = false} : vector<256x1024xf32>, vector<512x1024xf32>, vector<256x512xf32> -> vector<256x512xf32>
    %add3A_158 = vector.broadcast %slice3A_155 : vector<1x512xf32> to vector<256x512xf32>
    %add3A_159 = vector.broadcast %get3A_6 : vector<256x1xf32> to vector<256x512xf32>
    %add3A_160 = arith.addf %add3A_158, %add3A_159 : vector<256x512xf32>
    %mul3A_161 = arith.constant 2.000000e+00 : f32
    %mul3A_162 = vector.broadcast %mul3A_161 : f32 to vector<256x512xf32>
    %mul3A_163 = arith.mulf %mul3A_162, %dot_general3A_157 : vector<256x512xf32>
    %sub3A_164 = arith.subf %add3A_160, %mul3A_163 : vector<256x512xf32>
    %max3A_165 = arith.constant 0.000000e+00 : f32
    %max3A_166 = vector.broadcast %max3A_165 : f32 to vector<256x512xf32>
    %max3A_167 = arith.maximumf %sub3A_164, %max3A_166 : vector<256x512xf32>
    %sqrt3A_168 = math.sqrt %max3A_167 : vector<256x512xf32>
    %reduce_min3A_169 = arith.constant dense<0x7F800000> : vector<512xf32>
    %reduce_min3A_170 = vector.multi_reduction <minimumf>, %sqrt3A_168, %reduce_min3A_169 [0] : vector<256x512xf32> to vector<512xf32>
    %broadcast_in_dim3A_171 = vector.shape_cast %reduce_min3A_170 : vector<512xf32> to vector<1x512xf32>
    %iota3A_172 = tpu.iota {dimensions = array<i32: 0>} : vector<256x512xi32>
    %eq3A_173 = vector.broadcast %broadcast_in_dim3A_171 : vector<1x512xf32> to vector<256x512xf32>
    %eq3A_174 = arith.cmpf oeq, %sqrt3A_168, %eq3A_173 : vector<256x512xf32>
    %jit3A_175 = arith.constant 256 : i32
    %broadcast_in_dim3A_176 = vector.broadcast %jit3A_175 : i32 to vector<256x512xi32>
    %select_n3A_177 = arith.select %eq3A_174, %iota3A_172, %broadcast_in_dim3A_176 : vector<256x512xi1>, vector<256x512xi32>
    %reduce_min3A_178 = arith.constant dense<2147483647> : vector<512xi32>
    %reduce_min3A_179 = vector.multi_reduction <minsi>, %select_n3A_177, %reduce_min3A_178 [0] : vector<256x512xi32> to vector<512xi32>
    %reshape3A_180 = vector.shape_cast %reduce_min3A_179 : vector<512xi32> to vector<4x128xi32>
    %swap3A_181 = arith.constant 16 : index
    %swap3A_182 = arith.constant 0 : index
    %swap3A_183 = vector.load %arg4[%swap3A_181, %swap3A_182] : memref<32x128xi32, #tpu.memory_space<vmem>>, vector<4x128xi32>
    tpu.vector_store %arg4[%swap3A_181, %swap3A_182], %reshape3A_180 {strides = array<i32>} : memref<32x128xi32, #tpu.memory_space<vmem>>, vector<4x128xi32>,
    %dma_start3A_184 = arith.constant 3072 : i32
    %dma_start3A_185 = arith.constant 0 : i32
    %dma_start3A_186 = tpu.memref_slice %arg0[%dma_start3A_184, %dma_start3A_185] : memref<4096x1024xf32, #tpu.memory_space<any>> -> memref<512x1024xf32, #tpu.memory_space<any>>
    tpu.enqueue_dma source(%dma_start3A_186 : memref<512x1024xf32, #tpu.memory_space<any>>) target(%arg5 : memref<512x1024xf32, #tpu.memory_space<vmem>>) target_semaphore(%arg9 : memref<!tpu.dma_semaphore, #tpu.memory_space<semaphore_mem>>)
    %dma_wait3A_187 = arith.constant 2560 : i32
    %dma_wait3A_188 = arith.constant 0 : i32
    %dma_wait3A_189 = tpu.memref_slice %arg0[%dma_wait3A_187, %dma_wait3A_188] : memref<4096x1024xf32, #tpu.memory_space<any>> -> memref<512x1024xf32, #tpu.memory_space<any>>
    tpu.wait_dma2 semaphore(%arg10 : memref<!tpu.dma_semaphore, #tpu.memory_space<semaphore_mem>>) src(%dma_wait3A_189 : memref<512x1024xf32, #tpu.memory_space<any>>) dst(%arg6 : memref<512x1024xf32, #tpu.memory_space<vmem>>)
    %get3A_190 = arith.constant 0 : index
    %get3A_191 = arith.constant 0 : index
    %get3A_192 = vector.load %arg6[%get3A_190, %get3A_191] : memref<512x1024xf32, #tpu.memory_space<vmem>>, vector<512x1024xf32>
    %slice3A_193 = vector.extract_strided_slice %get3A_9 {offsets = [0, 2560], sizes = [1, 512], strides = [1, 1]} : vector<1x4096xf32> to vector<1x512xf32>
    %dot_general3A_194 = arith.constant dense<0.000000e+00> : vector<256x512xf32>
    %dot_general3A_195 = tpu.matmul %get3A_3, %get3A_192, %dot_general3A_194 {dimension_numbers = #tpu.dot_dimension_numbers<[1], [1], [0], [0], [0, 0, 1, 0], [], []>, transpose_lhs_hint = false} : vector<256x1024xf32>, vector<512x1024xf32>, vector<256x512xf32> -> vector<256x512xf32>
    %add3A_196 = vector.broadcast %slice3A_193 : vector<1x512xf32> to vector<256x512xf32>
    %add3A_197 = vector.broadcast %get3A_6 : vector<256x1xf32> to vector<256x512xf32>
    %add3A_198 = arith.addf %add3A_196, %add3A_197 : vector<256x512xf32>
    %mul3A_199 = arith.constant 2.000000e+00 : f32
    %mul3A_200 = vector.broadcast %mul3A_199 : f32 to vector<256x512xf32>
    %mul3A_201 = arith.mulf %mul3A_200, %dot_general3A_195 : vector<256x512xf32>
    %sub3A_202 = arith.subf %add3A_198, %mul3A_201 : vector<256x512xf32>
    %max3A_203 = arith.constant 0.000000e+00 : f32
    %max3A_204 = vector.broadcast %max3A_203 : f32 to vector<256x512xf32>
    %max3A_205 = arith.maximumf %sub3A_202, %max3A_204 : vector<256x512xf32>
    %sqrt3A_206 = math.sqrt %max3A_205 : vector<256x512xf32>
    %reduce_min3A_207 = arith.constant dense<0x7F800000> : vector<512xf32>
    %reduce_min3A_208 = vector.multi_reduction <minimumf>, %sqrt3A_206, %reduce_min3A_207 [0] : vector<256x512xf32> to vector<512xf32>
    %broadcast_in_dim3A_209 = vector.shape_cast %reduce_min3A_208 : vector<512xf32> to vector<1x512xf32>
    %iota3A_210 = tpu.iota {dimensions = array<i32: 0>} : vector<256x512xi32>
    %eq3A_211 = vector.broadcast %broadcast_in_dim3A_209 : vector<1x512xf32> to vector<256x512xf32>
    %eq3A_212 = arith.cmpf oeq, %sqrt3A_206, %eq3A_211 : vector<256x512xf32>
    %jit3A_213 = arith.constant 256 : i32
    %broadcast_in_dim3A_214 = vector.broadcast %jit3A_213 : i32 to vector<256x512xi32>
    %select_n3A_215 = arith.select %eq3A_212, %iota3A_210, %broadcast_in_dim3A_214 : vector<256x512xi1>, vector<256x512xi32>
    %reduce_min3A_216 = arith.constant dense<2147483647> : vector<512xi32>
    %reduce_min3A_217 = vector.multi_reduction <minsi>, %select_n3A_215, %reduce_min3A_216 [0] : vector<256x512xi32> to vector<512xi32>
    %reshape3A_218 = vector.shape_cast %reduce_min3A_217 : vector<512xi32> to vector<4x128xi32>
    %swap3A_219 = arith.constant 20 : index
    %swap3A_220 = arith.constant 0 : index
    %swap3A_221 = vector.load %arg4[%swap3A_219, %swap3A_220] : memref<32x128xi32, #tpu.memory_space<vmem>>, vector<4x128xi32>
    tpu.vector_store %arg4[%swap3A_219, %swap3A_220], %reshape3A_218 {strides = array<i32>} : memref<32x128xi32, #tpu.memory_space<vmem>>, vector<4x128xi32>,
    %dma_start3A_222 = arith.constant 3584 : i32
    %dma_start3A_223 = arith.constant 0 : i32
    %dma_start3A_224 = tpu.memref_slice %arg0[%dma_start3A_222, %dma_start3A_223] : memref<4096x1024xf32, #tpu.memory_space<any>> -> memref<512x1024xf32, #tpu.memory_space<any>>
    tpu.enqueue_dma source(%dma_start3A_224 : memref<512x1024xf32, #tpu.memory_space<any>>) target(%arg6 : memref<512x1024xf32, #tpu.memory_space<vmem>>) target_semaphore(%arg10 : memref<!tpu.dma_semaphore, #tpu.memory_space<semaphore_mem>>)
    %dma_wait3A_225 = arith.constant 3072 : i32
    %dma_wait3A_226 = arith.constant 0 : i32
    %dma_wait3A_227 = tpu.memref_slice %arg0[%dma_wait3A_225, %dma_wait3A_226] : memref<4096x1024xf32, #tpu.memory_space<any>> -> memref<512x1024xf32, #tpu.memory_space<any>>
    tpu.wait_dma2 semaphore(%arg9 : memref<!tpu.dma_semaphore, #tpu.memory_space<semaphore_mem>>) src(%dma_wait3A_227 : memref<512x1024xf32, #tpu.memory_space<any>>) dst(%arg5 : memref<512x1024xf32, #tpu.memory_space<vmem>>)
    %get3A_228 = arith.constant 0 : index
    %get3A_229 = arith.constant 0 : index
    %get3A_230 = vector.load %arg5[%get3A_228, %get3A_229] : memref<512x1024xf32, #tpu.memory_space<vmem>>, vector<512x1024xf32>
    %slice3A_231 = vector.extract_strided_slice %get3A_9 {offsets = [0, 3072], sizes = [1, 512], strides = [1, 1]} : vector<1x4096xf32> to vector<1x512xf32>
    %dot_general3A_232 = arith.constant dense<0.000000e+00> : vector<256x512xf32>
    %dot_general3A_233 = tpu.matmul %get3A_3, %get3A_230, %dot_general3A_232 {dimension_numbers = #tpu.dot_dimension_numbers<[1], [1], [0], [0], [0, 0, 1, 0], [], []>, transpose_lhs_hint = false} : vector<256x1024xf32>, vector<512x1024xf32>, vector<256x512xf32> -> vector<256x512xf32>
    %add3A_234 = vector.broadcast %slice3A_231 : vector<1x512xf32> to vector<256x512xf32>
    %add3A_235 = vector.broadcast %get3A_6 : vector<256x1xf32> to vector<256x512xf32>
    %add3A_236 = arith.addf %add3A_234, %add3A_235 : vector<256x512xf32>
    %mul3A_237 = arith.constant 2.000000e+00 : f32
    %mul3A_238 = vector.broadcast %mul3A_237 : f32 to vector<256x512xf32>
    %mul3A_239 = arith.mulf %mul3A_238, %dot_general3A_233 : vector<256x512xf32>
    %sub3A_240 = arith.subf %add3A_236, %mul3A_239 : vector<256x512xf32>
    %max3A_241 = arith.constant 0.000000e+00 : f32
    %max3A_242 = vector.broadcast %max3A_241 : f32 to vector<256x512xf32>
    %max3A_243 = arith.maximumf %sub3A_240, %max3A_242 : vector<256x512xf32>
    %sqrt3A_244 = math.sqrt %max3A_243 : vector<256x512xf32>
    %reduce_min3A_245 = arith.constant dense<0x7F800000> : vector<512xf32>
    %reduce_min3A_246 = vector.multi_reduction <minimumf>, %sqrt3A_244, %reduce_min3A_245 [0] : vector<256x512xf32> to vector<512xf32>
    %broadcast_in_dim3A_247 = vector.shape_cast %reduce_min3A_246 : vector<512xf32> to vector<1x512xf32>
    %iota3A_248 = tpu.iota {dimensions = array<i32: 0>} : vector<256x512xi32>
    %eq3A_249 = vector.broadcast %broadcast_in_dim3A_247 : vector<1x512xf32> to vector<256x512xf32>
    %eq3A_250 = arith.cmpf oeq, %sqrt3A_244, %eq3A_249 : vector<256x512xf32>
    %jit3A_251 = arith.constant 256 : i32
    %broadcast_in_dim3A_252 = vector.broadcast %jit3A_251 : i32 to vector<256x512xi32>
    %select_n3A_253 = arith.select %eq3A_250, %iota3A_248, %broadcast_in_dim3A_252 : vector<256x512xi1>, vector<256x512xi32>
    %reduce_min3A_254 = arith.constant dense<2147483647> : vector<512xi32>
    %reduce_min3A_255 = vector.multi_reduction <minsi>, %select_n3A_253, %reduce_min3A_254 [0] : vector<256x512xi32> to vector<512xi32>
    %reshape3A_256 = vector.shape_cast %reduce_min3A_255 : vector<512xi32> to vector<4x128xi32>
    %swap3A_257 = arith.constant 24 : index
    %swap3A_258 = arith.constant 0 : index
    %swap3A_259 = vector.load %arg4[%swap3A_257, %swap3A_258] : memref<32x128xi32, #tpu.memory_space<vmem>>, vector<4x128xi32>
    tpu.vector_store %arg4[%swap3A_257, %swap3A_258], %reshape3A_256 {strides = array<i32>} : memref<32x128xi32, #tpu.memory_space<vmem>>, vector<4x128xi32>,
    %dma_wait3A_260 = arith.constant 3584 : i32
    %dma_wait3A_261 = arith.constant 0 : i32
    %dma_wait3A_262 = tpu.memref_slice %arg0[%dma_wait3A_260, %dma_wait3A_261] : memref<4096x1024xf32, #tpu.memory_space<any>> -> memref<512x1024xf32, #tpu.memory_space<any>>
    tpu.wait_dma2 semaphore(%arg10 : memref<!tpu.dma_semaphore, #tpu.memory_space<semaphore_mem>>) src(%dma_wait3A_262 : memref<512x1024xf32, #tpu.memory_space<any>>) dst(%arg6 : memref<512x1024xf32, #tpu.memory_space<vmem>>)
    %get3A_263 = arith.constant 0 : index
    %get3A_264 = arith.constant 0 : index
    %get3A_265 = vector.load %arg6[%get3A_263, %get3A_264] : memref<512x1024xf32, #tpu.memory_space<vmem>>, vector<512x1024xf32>
    %slice3A_266 = vector.extract_strided_slice %get3A_9 {offsets = [0, 3584], sizes = [1, 512], strides = [1, 1]} : vector<1x4096xf32> to vector<1x512xf32>
    %dot_general3A_267 = arith.constant dense<0.000000e+00> : vector<256x512xf32>
    %dot_general3A_268 = tpu.matmul %get3A_3, %get3A_265, %dot_general3A_267 {dimension_numbers = #tpu.dot_dimension_numbers<[1], [1], [0], [0], [0, 0, 1, 0], [], []>, transpose_lhs_hint = false} : vector<256x1024xf32>, vector<512x1024xf32>, vector<256x512xf32> -> vector<256x512xf32>
    %add3A_269 = vector.broadcast %slice3A_266 : vector<1x512xf32> to vector<256x512xf32>
    %add3A_270 = vector.broadcast %get3A_6 : vector<256x1xf32> to vector<256x512xf32>
    %add3A_271 = arith.addf %add3A_269, %add3A_270 : vector<256x512xf32>
    %mul3A_272 = arith.constant 2.000000e+00 : f32
    %mul3A_273 = vector.broadcast %mul3A_272 : f32 to vector<256x512xf32>
    %mul3A_274 = arith.mulf %mul3A_273, %dot_general3A_268 : vector<256x512xf32>
    %sub3A_275 = arith.subf %add3A_271, %mul3A_274 : vector<256x512xf32>
    %max3A_276 = arith.constant 0.000000e+00 : f32
    %max3A_277 = vector.broadcast %max3A_276 : f32 to vector<256x512xf32>
    %max3A_278 = arith.maximumf %sub3A_275, %max3A_277 : vector<256x512xf32>
    %sqrt3A_279 = math.sqrt %max3A_278 : vector<256x512xf32>
    %reduce_min3A_280 = arith.constant dense<0x7F800000> : vector<512xf32>
    %reduce_min3A_281 = vector.multi_reduction <minimumf>, %sqrt3A_279, %reduce_min3A_280 [0] : vector<256x512xf32> to vector<512xf32>
    %broadcast_in_dim3A_282 = vector.shape_cast %reduce_min3A_281 : vector<512xf32> to vector<1x512xf32>
    %iota3A_283 = tpu.iota {dimensions = array<i32: 0>} : vector<256x512xi32>
    %eq3A_284 = vector.broadcast %broadcast_in_dim3A_282 : vector<1x512xf32> to vector<256x512xf32>
    %eq3A_285 = arith.cmpf oeq, %sqrt3A_279, %eq3A_284 : vector<256x512xf32>
    %jit3A_286 = arith.constant 256 : i32
    %broadcast_in_dim3A_287 = vector.broadcast %jit3A_286 : i32 to vector<256x512xi32>
    %select_n3A_288 = arith.select %eq3A_285, %iota3A_283, %broadcast_in_dim3A_287 : vector<256x512xi1>, vector<256x512xi32>
    %reduce_min3A_289 = arith.constant dense<2147483647> : vector<512xi32>
    %reduce_min3A_290 = vector.multi_reduction <minsi>, %select_n3A_288, %reduce_min3A_289 [0] : vector<256x512xi32> to vector<512xi32>
    %reshape3A_291 = vector.shape_cast %reduce_min3A_290 : vector<512xi32> to vector<4x128xi32>
    %swap3A_292 = arith.constant 28 : index
    %swap3A_293 = arith.constant 0 : index
    %swap3A_294 = vector.load %arg4[%swap3A_292, %swap3A_293] : memref<32x128xi32, #tpu.memory_space<vmem>>, vector<4x128xi32>
    tpu.vector_store %arg4[%swap3A_292, %swap3A_293], %reshape3A_291 {strides = array<i32>} : memref<32x128xi32, #tpu.memory_space<vmem>>, vector<4x128xi32>,
    return
  }
}

</mosaic_0001>

<sc_bundles>
// kernel: kernel.4.cloned.1.call-start
scs
__scs_entry_jumppad:
0x0: {  	(pc) =	sbr.rel $0x88, $3  }
0x1: {  	(tag) =	ssettag $0x0;
	lr =	simm.s32 $0x1  }
0x2: {  	[smem:$0x3F9F] =	sst lr;
	_ =	strace $0xD0000000  }
0x3: {  	_ = 	snop  }
0x4: {  	_ = 	snop  }
0x5: {  	_ = 	snop  }
0x6: {  	_ = 	snop  }
0x7: {  	_ = 	snop  }
__scs_overlays_trampoline_lowered:
0x8: {  	[smem:$0x3FAE] =	sst s0  }
0x9: {  	[smem:$0x3FAF] =	sst s1  }
0xa: {  	[smem:$0x3FB0] =	sst s2  }
0xb: {  	[smem:$0x3FB1] =	sst s3  }
0xc: {  	[smem:$0x3FB2] =	sst s4  }
0xd: {  	[smem:$0x3FB3] =	sst s5  }
0xe: {  	[smem:$0x3FB4] =	sst s6  }
0xf: {  	[smem:$0x3FB5] =	sst s7  }
0x10: {  	[smem:$0x3FB6] =	sst s8  }
0x11: {  	[smem:$0x3FB7] =	sst s9;
	s0 =	simm.s32 @!p0 $0x0  }
0x12: {  	s1 =	sld [smem:$0x3F9D];
	s0 =	simm.s32 @p0 $0x1  }
0x13: {  	[smem:$0x3FB8] =	sst s0;
	s0 =	simm.s32 @!p1 $0x0  }
0x14: {  	s2 =	sld [smem:$0x3F9C];
	s0 =	simm.s32 @p1 $0x1  }
0x15: {  	[smem:$0x3FB9] =	sst s0;
	s0 =	simm.s32 @!p2 $0x0  }
0x16: {  	s3 =	sld [smem:$0x3FDB];
	s0 =	simm.s32 @p2 $0x1  }
0x17: {  	s4 =	simm.s32 $0x1BF5;
	[smem:$0x3FBB] =	sst s0  }
0x18: {  	s0 =	sld [smem:$0x3F9E];
	_ =	swait.ge [sflag:s4], $0x0  }
0x19: {  	s7 =	sld [smem:$0x3F9F]  }
0x1a: {  	s8 =	sadd.s32 $0xFFFFE003, lr  }
0x1b: {  	s9 =	sadd.s32 $0xFFFFFEF7, lr;
	s5 =	simm.s32 $0xFFFFFFFF;
	p2 =	slt.u32 s8, $0xFFFFF086  }
0x1c: {  	p1 =	slt.u32 s9, $0xF7A;
	s5 =	simm.s32 @!p2 $0x0  }
0x1d: {  	s5 =	simm.s32 @p1 $0x1;
	p0 =	seq.s32 s7, s2  }
0x1e: {  	s7 =	smul.u32 @!p0 $0xF7A, s2;
	p2 =	seq.s32 @!p0 s5, $0x0  }
0x1f: {  	s9 =	smul.u32 $0xF7A, s1;
	s8 =	simm.s32 @!p0 $0x1BF5;
	p2 =	por !p2, p0  }
0x20: {  	[sflag:s8] =	ssyncset.s32 @!p0 $0xFFFFF086;
	s6 =	sadd.s32 @!p0 s3, s7;
	s7 =	simm.s32 @!p0 $0x108  }
0x21: {  	s3 =	sadd.s32 s3, s9;
	s6 =	sadd.s32 @!p0 $0x88, s6;
	s7 =	simm.s32 @p2 $0x1082  }
0x22: {  	[simem:s7], [sflag:s8] =	dma.local @!p0 [hbm:s6], $0xF7A  }
0x23: {  	s9 =	sor.u32 $0xD0000000, s2;
	s6 =	simm.s32 $0x108;
	_ =	swait.ge @!p0 [sflag:s8], $0x0  }
0x24: {  	s3 =	sadd.s32 $0x88, s3;
	s6 =	simm.s32 @!p1 $0x1082;
	[sflag:s4] =	ssyncset.s32 $0xFFFFF086  }
0x25: {  	[simem:s6], [sflag:s4] =	dma.local [hbm:s3], $0xF7A  }
0x26: {  	[smem:$0x3F9F] =	sst s1;
	(tag) =	ssettag s2;
	_ =	strace s9  }
0x27: {  	s1 =	sld [smem:$0x3FAF]  }
0x28: {  	s2 =	sld [smem:$0x3FB0]  }
0x29: {  	s4 =	sld [smem:$0x3FB2]  }
0x2a: {  	p0 =	seq.s32 s5, $0x0;
	s5 =	sld [smem:$0x3FB3]  }
0x2b: {  	s6 =	sld [smem:$0x3FB4]  }
0x2c: {  	s7 =	sld [smem:$0x3FB5]  }
0x2d: {  	s3 =	simm.s32 $0x108;
	s8 =	sld [smem:$0x3FB6]  }
0x2e: {  	s3 =	simm.s32 @!p0 $0x1082;
	s9 =	sld [smem:$0x3FB7]  }
0x2f: {  	lr =	sadd.s32 s0, s3;
	s0 =	sld [smem:$0x3FAE]  }
0x30: {  	s3 =	sld [smem:$0x3FB1]  }
0x31: {  	[smem:$0x3FBA] =	sst s10  }
0x32: {  	s10 =	sld [smem:$0x3FB8];
	_ =	sdelay $0x3  }
0x33: {  	p0 =	seq.s32 s10, $0x1;
	s10 =	sld [smem:$0x3FBA];
	_ =	sdelay $0x3  }
0x34: {  	[smem:$0x3FBA] =	sst s10  }
0x35: {  	s10 =	sld [smem:$0x3FB9];
	_ =	sdelay $0x3  }
0x36: {  	p1 =	seq.s32 s10, $0x1;
	s10 =	sld [smem:$0x3FBA];
	_ =	sdelay $0x3  }
0x37: {  	[smem:$0x3FBA] =	sst s10  }
0x38: {  	s10 =	sld [smem:$0x3FBB]  }
0x39: {  	_ = 	snop;
	(pc) =	sbr.ind lr, $3  }
0x3a: {  	_ = 	snop  }
0x3b: {  	_ = 	snop  }
0x3c: {  	p2 =	seq.s32 s10, $0x1;
	s10 =	sld [smem:$0x3FBA]  }
0x3d: {  	_ =	shalt  }
0x3e: {  	_ =	shalt  }
0x3f: {  	_ =	shalt  }
0x40: {  	_ =	shalt  }
0x41: {  	_ =	shalt  }
0x42: {  	_ =	shalt  }
0x43: {  	_ =	shalt  }
0x44: {  	_ =	shalt  }
0x45: {  	_ =	shalt  }
0x46: {  	_ =	shalt  }
0x47: {  	_ =	shalt  }
0x48: {  	_ =	shalt  }
0x49: {  	_ =	shalt  }
0x4a: {  	_ =	shalt  }
0x4b: {  	_ =	shalt  }
0x4c: {  	_ =	shalt  }
0x4d: {  	_ =	shalt  }
0x4e: {  	_ =	shalt  }
0x4f: {  	_ =	shalt  }
0x50: {  	_ =	shalt  }
0x51: {  	_ =	shalt  }
0x52: {  	_ =	shalt  }
0x53: {  	_ =	shalt  }
0x54: {  	_ =	shalt  }
0x55: {  	_ =	shalt  }
0x56: {  	_ =	shalt  }
0x57: {  	_ =	shalt  }
0x58: {  	_ =	shalt  }
0x59: {  	_ =	shalt  }
0x5a: {  	_ =	shalt  }
0x5b: {  	_ =	shalt  }
0x5c: {  	_ =	shalt  }
0x5d: {  	_ =	shalt  }
0x5e: {  	_ =	shalt  }
0x5f: {  	_ =	shalt  }
0x60: {  	_ =	shalt  }
0x61: {  	_ =	shalt  }
0x62: {  	_ =	shalt  }
0x63: {  	_ =	shalt  }
0x64: {  	_ =	shalt  }
0x65: {  	_ =	shalt  }
0x66: {  	_ =	shalt  }
0x67: {  	_ =	shalt  }
0x68: {  	_ =	shalt  }
0x69: {  	_ =	shalt  }
0x6a: {  	_ =	shalt  }
0x6b: {  	_ =	shalt  }
0x6c: {  	_ =	shalt  }
0x6d: {  	_ =	shalt  }
0x6e: {  	_ =	shalt  }
0x6f: {  	_ =	shalt  }
0x70: {  	_ =	shalt  }
0x71: {  	_ =	shalt  }
0x72: {  	_ =	shalt  }
0x73: {  	_ =	shalt  }
0x74: {  	_ =	shalt  }
0x75: {  	_ =	shalt  }
0x76: {  	_ =	shalt  }
0x77: {  	_ =	shalt  }
0x78: {  	_ =	shalt  }
0x79: {  	_ =	shalt  }
0x7a: {  	_ =	shalt  }
0x7b: {  	_ =	shalt  }
0x7c: {  	_ =	shalt  }
0x7d: {  	_ =	shalt  }
0x7e: {  	_ =	shalt  }
0x7f: {  	_ =	shalt  }
0x80: {  	_ =	shalt  }
0x81: {  	_ =	shalt  }
0x82: {  	_ =	shalt  }
0x83: {  	_ =	shalt  }
0x84: {  	_ =	shalt  }
0x85: {  	_ =	shalt  }
0x86: {  	_ =	shalt  }
0x87: {  	_ =	shalt  }
.Lfunc_end0:
.L_simem_size_0:
called_computation_lowered:
.L_overlay_start_0:
0x88: {  	s2 =	sld [smem:$0x3FD9]  }
0x89: {  	s3 =	sld [smem:$0x3FFE];
	_ =	sdelay $0x1  }
0x8a: {  	s1 =	srdreg.scid  }
0x8b: {  	s0 =	sand.u32 $0x1, s1  }
0x8c: {  	s14 =	sshll.u32 s0, $0xA;
	s2 =	sadd.s32 s3, s2  }
0x8d: {  	s2 =	sadd.s32 s2, s14  }
0x8e: {  	[smem:$0x3FC6] =	sst s2  }
0x8f: {  	_ = 	snop  }
0x90: {  	s2 =	sld [smem:$0x3FD0];
	_ =	sdelay $0x2  }
0x91: {  	s4 =	simm.s32 $0xA;
	s5 =	simm.s32 $0x10;
	s15 =	sld [smem:$0x3FC8]  }
0x92: {  	[smem:s5], [sflag:s4] =	dma.local [hbm:s2], $0x1  }
0x93: {  	_ =	swait.eq [sflag:s4], $0x1  }
0x94: {  	[sflag:s4] =	ssyncset.done $0x0  }
0x95: {  	[sflag:s4] =	ssyncadd.s32 $0xFFFFFFFF  }
0x96: {  	s16 =	sld [smem:$0x10];
	(tm) =	ssettm $0x1  }
0x97: {  	s17 =	sld [smem:$0x3FFB];
	_ =	sdelay $0x3  }
0x98: {  	_ =	strace s17  }
0x99: {  	s4 =	sld [smem:$0x3FFC];
	_ =	sdelay $0x3  }
0x9a: {  	_ =	strace s4  }
0x9b: {  	s4 =	sld [smem:$0x3FFD];
	_ =	sdelay $0x3  }
0x9c: {  	_ =	strace s4  }
0x9d: {  	_ =	strace $0x8FFFFFFF  }
0x9e: {  	s18 =	sld [smem:$0x3FDB];
	_ =	sdelay $0x1  }
0x9f: {  	s19 =	simm.s32 $_scs_section_size  }
0xa0: {  	s6 =	simm.s32 $_size__tile_overlayer_lowered;
	s7 =	simm.s32 $_tile_overlayer_lowered  }
0xa1: {  	s22 =	simm.s32 $0x1BFF;
	s21 =	sshll.u32 s7, $0x1;
	s4 =	sadd.s32 s19, s18  }
0xa2: {  	s8 =	simm.s32 $0x0;
	s20 =	sshll.u32 s6, $0x1;
	s6 =	sadd.s32 s21, s4  }
0xa3: {  	[timem:s8], [sflag:s22] =	dma.local [hbm:s6], s20  }
0xa4: {  	_ =	swait.ge [sflag:s22], s20  }
0xa5: {  	s5 =	ssub.s32 $0x0, s20;
	[sflag:s22] =	ssyncset.done $0x0  }
0xa6: {  	[sflag:s22] =	ssyncadd.s32 s5;
	_ =	sdelay $0x1  }
0xa7: {  	s23 =	simm.s32 $0x1B8B  }
0xa8: {  	_ =	swait.ge [sflag:s23], $0x1  }
0xa9: {  	[sflag:s23] =	ssyncset.done $0x0  }
0xaa: {  	s25 =	simm.s32 $0x1B8E;
	s24 =	sld [smem:$0x3FFE];
	[sflag:s23] =	ssyncadd.s32 $0xFFFFFFFF  }
0xab: {  	s26 =	simm.s32 $execute0_lowered;
	[smem:$0x3FD2] =	sst s25  }
0xac: {  	s6 =	sshll.u32 s26, $0x1;
	_ =	strace $0x80000046;
	[dreg:$0x1] =	wrdreg $0xFFFFFFFF  }
0xad: {  	s28 =	simm.s32 $_size_execute0_lowered;
	s4 =	sadd.s32 s4, s6;
	[dreg:$0x0] =	wrdreg $0x0  }
0xae: {  	s6 =	sshll.u32 s28, $0x1;
	[dreg:$0x2] =	wrdreg s4  }
0xaf: {  	[dreg:$0x3] =	wrdreg s6  }
0xb0: {  	[dreg:$0x4] =	wrdreg $0xC0  }
0xb1: {  	_ =	task [dreg:s8], $0x5FFFF  }
0xb2: {  	[dreg:$0x1] =	wrdreg $0xFFFFFFFF  }
0xb3: {  	[dreg:$0x0] =	wrdreg $0x60  }
0xb4: {  	[dreg:$0x2] =	wrdreg s24  }
0xb5: {  	[dreg:$0x3] =	wrdreg s15  }
0xb6: {  	[dreg:$0x4] =	wrdreg s16  }
0xb7: {  	[dreg:$0x5] =	wrdreg $0x9  }
0xb8: {  	_ =	task.clear_ibuf [dreg:s8], $0x6FFFF;
	_ =	strace $0x90000046  }
0xb9: {  	s29 =	simm.s32 $0x9;
	_ =	strace $0x80000048  }
0xba: {  	_ =	swait.ge [sflag:s29], $0x1  }
0xbb: {  	[sflag:s29] =	ssyncadd.s32 $0xFFFFFFFF  }
0xbc: {  	_ =	strace $0x90000048  }
0xbd: {  	_ =	sfence  }
0xbe: {  	s30 =	sld [smem:$0x0];
	_ =	sdelay $0x2  }
0xbf: {  	s31 =	sshll.u32 s1, $0xD;
	s1 =	sshrl.u32 s1, $0x2  }
0xc0: {  	s3 =	sand.u32 $0x4000, s31;
	s1 =	sadd.s32 s1, s30  }
0xc1: {  	s0 =	sor.u32 s3, s0;
	s1 =	sshll.u32 s1, $0x11  }
0xc2: {  	s0 =	sor.u32 s1, s0  }
0xc3: {  	s0 =	sadd.s32 $0x8F2B, s0  }
0xc4: {  	[sflag:s0] =	ssyncadd.remote.s32 $0x1  }
0xc5: {  	_ =	sfence.sel $0xFFFF  }
0xc6: {  	[dreg:$0x0] =	wrdreg $0xFFFFFFFF;
	(pc) =	sbr.abs _section_cstart, $3  }
0xc7: {  	[dreg:$0x1] =	wrdreg $0xFFFFFFFF  }
0xc8: {  	_ =	task.clear_ibuf [dreg:s8], $0x2FFFF;
	_ =	strace $0x9FFFFFFF  }
0xc9: {  	(tm) =	ssettm $0x7FFFFFFF  }
tec
execute0_lowered:
.L_overlay_start_1:
0x0: {  	(tag) =	ssettag $0x1  }
0x1: {  	s0 =	rddreg [dreg:$0x0]  }
0x2: {  	s2 =	rddreg [dreg:$0x1]  }
0x3: {  	s1 =	rddreg [dreg:$0x2]  }
0x4: {  	s3 =	srdreg.scid;
	s5 =	stileid.u32;
	s9 =	simm.s32 $0x1  }
0x5: {  	s21 =	simm.s32 $0x3;
	s22 =	simm.s32 $0x4;
	s28 =	simm.s32 $0x1880  }
0x6: {  	s29 =	simm.s32 $0x2080;
	s30 =	simm.s32 $0x2880;
	s31 =	simm.s32 $0x3080  }
0x7: {  	s11 =	simm.s32 $0x4880;
	s12 =	simm.s32 $0x5080;
	s13 =	simm.s32 $0x5880  }
0x8: {  	s14 =	simm.s32 $0x6080;
	s15 =	simm.s32 $0x6880;
	s16 =	simm.s32 $0x7080  }
0x9: {  	s17 =	simm.s32 $0x7880;
	s20 =	simm.s32 $0x8080;
	s18 =	simm.s32 $0x8880  }
0xa: {  	s19 =	simm.s32 $0x9080;
	s4 =	sand.u32 $0x1, s3;
	s3 =	simm.s32 $0x0  }
0xb: {  	s5 =	sshll.u32 s5, $0x8;
	s7 =	sadd.s32 $0x300, s2;
	s6 =	sshll.u32 s4, $0x7  }
0xc: {  	[smem:$0x7FF] =	sst s3;
	s4 =	ssub.s32 $0x2, s4;
	s5 =	sor.u32 s6, s5  }
0xd: {  	_ =	strace $0x80000047;
	s6 =	sshrl.u32 s5, $0x3;
	s5 =	sshll.u32 s5, $0x7  }
0xe: {  	s23 =	sshrl.u32 s4, $0x1;
	s0 =	sadd.s32 s6, s0;
	s1 =	sadd.s32 s1, s5  }
0xf: {  	s4 =	ssub.s32 s4, s23;
	s0 =	sadd.s32 $0x200, s0;
	[dreg:$0x8] =	wrdreg s1  }
0x10: {  	s5 =	sadd.s32 $0x100, s2;
	s24 =	sadd.s32 $0x1000, s1;
	[dreg:$0x4] =	wrdreg s0  }
0x11: {  	s6 =	sadd.s32 $0x200, s2;
	s25 =	sadd.s32 $0x2000, s1;
	[dreg:$0x5] =	wrdreg s24  }
0x12: {  	v2 =	vlaneseq.u32;
	s8 =	smax.u32 s4, $0x1;
	s26 =	sadd.s32 $0x3000, s1;
	[dreg:$0x6] =	wrdreg s25  }
0x13: {  	vm0 =	vmmov $0xffff;
	v1 =	vshrl.u32 v2, $0x3;
	s4 =	simm.s32 $0x2;
	s1 =	simm.s32 $0x4080;
	[dreg:$0x7] =	wrdreg s26  }
0x14: {  	v0 =	vand.u32 $0x7, v2;
	v2 =	vor.u32 $0x8, v2;
	v1 =	vmul.u32 $0x8, v1;
	s26 =	simm.s32 $0x80;
	s24 =	simm.s32 $0x880;
	s25 =	simm.s32 $0x1080  }
.LBB2_1:
0x15: {  	s23 =	rddreg [dreg:$0x4];
	s0 =	simm.s32 $0x5  }
0x16: {  	[tilespmem:s3], [sflag:$0x5] =	stream.linear.gather [hbm4b:s23+s3], $0x80, $0x38;
	[tilespmem:$0x10080] =	vst v63  }
0x17: {  	_ =	swait.ge [sflag:s0], $0x80  }
0x18: {  	[sflag:s0] =	ssyncset.done $0x0  }
0x19: {  	[sflag:s0] =	ssyncadd.s32 $0xFFFFFF80  }
0x1a: {  	v3 =	vld [tilespmem:$0x0];
	_ =	sdelay $0x4  }
0x1b: {  	v4 =	vshll.u32 v3, $0x3  }
0x1c: {  	v3 =	vand.u32 $0x7, v3;
	v4 =	vand.u32 $0xFFFFFFC0, v4  }
0x1d: {  	v3 =	vor.u32 v3, v4  }
0x1e: {  	v4 =	vperm.xlane v3, v0;
	_ =	sdelay $0x1  }
0x1f: {  	v4 =	vadd.s32 v1, v4;
	_ =	sdelay $0x4  }
0x20: {  	[tilespmem:s26], [sflag:$0x1] =	stream.indirect_vreg.gather [hbm4b:s2+s3], $0x80, v4, vm0, $0xb8;
	[tilespmem:$0x10080] =	vst v63  }
0x21: {  	v3 =	vperm.xlane v3, v2  }
0x22: {  	[tilespmem:s24], [sflag:$0x1] =	stream.indirect_vreg.gather [hbm4b:s5+s3], $0x80, v4, vm0, $0xb8;
	[tilespmem:$0x10080] =	vst v63  }
0x23: {  	v3 =	vadd.s32 v1, v3  }
0x24: {  	[tilespmem:s25], [sflag:$0x1] =	stream.indirect_vreg.gather [hbm4b:s6+s3], $0x80, v4, vm0, $0xb8;
	[tilespmem:$0x10080] =	vst v63  }
0x25: {  	_ = 	snop  }
0x26: {  	[tilespmem:s28], [sflag:$0x1] =	stream.indirect_vreg.gather [hbm4b:s7+s3], $0x80, v4, vm0, $0xb8;
	[tilespmem:$0x10080] =	vst v63  }
0x27: {  	_ = 	snop  }
0x28: {  	[tilespmem:s29], [sflag:$0x1] =	stream.indirect_vreg.gather [hbm4b:s2+s3], $0x80, v3, vm0, $0xb8;
	[tilespmem:$0x10080] =	vst v63  }
0x29: {  	_ = 	snop  }
0x2a: {  	[tilespmem:s30], [sflag:$0x1] =	stream.indirect_vreg.gather [hbm4b:s5+s3], $0x80, v3, vm0, $0xb8;
	[tilespmem:$0x10080] =	vst v63  }
0x2b: {  	_ = 	snop  }
0x2c: {  	[tilespmem:s31], [sflag:$0x1] =	stream.indirect_vreg.gather [hbm4b:s6+s3], $0x80, v3, vm0, $0xb8;
	[tilespmem:$0x10080] =	vst v63  }
0x2d: {  	s0 =	simm.s32 $0x3880  }
0x2e: {  	[tilespmem:s0], [sflag:$0x1] =	stream.indirect_vreg.gather [hbm4b:s7+s3], $0x80, v3, vm0, $0xb8;
	[tilespmem:$0x10080] =	vst v63  }
0x2f: {  	v3 =	vld [tilespmem:$0x10];
	_ =	sdelay $0x4  }
0x30: {  	v57 =	vshll.u32 v3, $0x3  }
0x31: {  	v3 =	vand.u32 $0x7, v3;
	v4 =	vand.u32 $0xFFFFFFC0, v57  }
0x32: {  	v3 =	vor.u32 v3, v4  }
0x33: {  	v4 =	vperm.xlane v3, v0;
	_ =	sdelay $0x1  }
0x34: {  	v4 =	vadd.s32 v1, v4;
	_ =	sdelay $0x4  }
0x35: {  	[tilespmem:s1], [sflag:$0x1] =	stream.indirect_vreg.gather [hbm4b:s2+s3], $0x80, v4, vm0, $0xb8;
	[tilespmem:$0x10080] =	vst v63  }
0x36: {  	v3 =	vperm.xlane v3, v2  }
0x37: {  	[tilespmem:s11], [sflag:$0x1] =	stream.indirect_vreg.gather [hbm4b:s5+s3], $0x80, v4, vm0, $0xb8;
	[tilespmem:$0x10080] =	vst v63  }
0x38: {  	v3 =	vadd.s32 v1, v3  }
0x39: {  	[tilespmem:s12], [sflag:$0x1] =	stream.indirect_vreg.gather [hbm4b:s6+s3], $0x80, v4, vm0, $0xb8;
	[tilespmem:$0x10080] =	vst v63  }
0x3a: {  	_ = 	snop  }
0x3b: {  	[tilespmem:s13], [sflag:$0x1] =	stream.indirect_vreg.gather [hbm4b:s7+s3], $0x80, v4, vm0, $0xb8;
	[tilespmem:$0x10080] =	vst v63  }
0x3c: {  	_ = 	snop  }
0x3d: {  	[tilespmem:s14], [sflag:$0x1] =	stream.indirect_vreg.gather [hbm4b:s2+s3], $0x80, v3, vm0, $0xb8;
	[tilespmem:$0x10080] =	vst v63  }
0x3e: {  	_ = 	snop  }
0x3f: {  	[tilespmem:s15], [sflag:$0x1] =	stream.indirect_vreg.gather [hbm4b:s5+s3], $0x80, v3, vm0, $0xb8;
	[tilespmem:$0x10080] =	vst v63  }
0x40: {  	_ = 	snop  }
0x41: {  	[tilespmem:s16], [sflag:$0x1] =	stream.indirect_vreg.gather [hbm4b:s6+s3], $0x80, v3, vm0, $0xb8;
	[tilespmem:$0x10080] =	vst v63  }
0x42: {  	_ = 	snop  }
0x43: {  	[tilespmem:s17], [sflag:$0x1] =	stream.indirect_vreg.gather [hbm4b:s7+s3], $0x80, v3, vm0, $0xb8;
	[tilespmem:$0x10080] =	vst v63  }
0x44: {  	v3 =	vld [tilespmem:$0x20];
	_ =	sdelay $0x4  }
0x45: {  	v58 =	vshll.u32 v3, $0x3  }
0x46: {  	v3 =	vand.u32 $0x7, v3;
	v4 =	vand.u32 $0xFFFFFFC0, v58  }
0x47: {  	v3 =	vor.u32 v3, v4  }
0x48: {  	v4 =	vperm.xlane v3, v0;
	_ =	sdelay $0x1  }
0x49: {  	v4 =	vadd.s32 v1, v4;
	_ =	sdelay $0x4  }
0x4a: {  	[tilespmem:s20], [sflag:$0x2] =	stream.indirect_vreg.gather [hbm4b:s2+s3], $0x80, v4, vm0, $0xb8;
	[tilespmem:$0x10080] =	vst v63  }
0x4b: {  	v3 =	vperm.xlane v3, v2  }
0x4c: {  	[tilespmem:s18], [sflag:$0x2] =	stream.indirect_vreg.gather [hbm4b:s5+s3], $0x80, v4, vm0, $0xb8;
	[tilespmem:$0x10080] =	vst v63  }
0x4d: {  	v3 =	vadd.s32 v1, v3  }
0x4e: {  	[tilespmem:s19], [sflag:$0x2] =	stream.indirect_vreg.gather [hbm4b:s6+s3], $0x80, v4, vm0, $0xb8;
	[tilespmem:$0x10080] =	vst v63  }
0x4f: {  	s10 =	simm.s32 $0x9880  }
0x50: {  	[tilespmem:s10], [sflag:$0x2] =	stream.indirect_vreg.gather [hbm4b:s7+s3], $0x80, v4, vm0, $0xb8;
	[tilespmem:$0x10080] =	vst v63  }
0x51: {  	s10 =	simm.s32 $0xA080  }
0x52: {  	[tilespmem:s10], [sflag:$0x2] =	stream.indirect_vreg.gather [hbm4b:s2+s3], $0x80, v3, vm0, $0xb8;
	[tilespmem:$0x10080] =	vst v63  }
0x53: {  	s23 =	simm.s32 $0xA880  }
0x54: {  	[tilespmem:s23], [sflag:$0x2] =	stream.indirect_vreg.gather [hbm4b:s5+s3], $0x80, v3, vm0, $0xb8;
	[tilespmem:$0x10080] =	vst v63  }
0x55: {  	s23 =	simm.s32 $0xB080  }
0x56: {  	[tilespmem:s23], [sflag:$0x2] =	stream.indirect_vreg.gather [hbm4b:s6+s3], $0x80, v3, vm0, $0xb8;
	[tilespmem:$0x10080] =	vst v63  }
0x57: {  	s23 =	simm.s32 $0xB880  }
0x58: {  	[tilespmem:s23], [sflag:$0x2] =	stream.indirect_vreg.gather [hbm4b:s7+s3], $0x80, v3, vm0, $0xb8;
	[tilespmem:$0x10080] =	vst v63  }
0x59: {  	v3 =	vld [tilespmem:$0x30];
	_ =	sdelay $0x4  }
0x5a: {  	v59 =	vshll.u32 v3, $0x3  }
0x5b: {  	v3 =	vand.u32 $0x7, v3;
	v4 =	vand.u32 $0xFFFFFFC0, v59  }
0x5c: {  	v3 =	vor.u32 v3, v4  }
0x5d: {  	v4 =	vperm.xlane v3, v0;
	_ =	sdelay $0x1  }
0x5e: {  	v4 =	vadd.s32 v1, v4;
	_ =	sdelay $0x3  }
0x5f: {  	s23 =	simm.s32 $0xC080  }
0x60: {  	[tilespmem:s23], [sflag:$0x2] =	stream.indirect_vreg.gather [hbm4b:s2+s3], $0x80, v4, vm0, $0xb8;
	[tilespmem:$0x10080] =	vst v63  }
0x61: {  	v3 =	vperm.xlane v3, v2;
	s23 =	simm.s32 $0xC880  }
0x62: {  	[tilespmem:s23], [sflag:$0x2] =	stream.indirect_vreg.gather [hbm4b:s5+s3], $0x80, v4, vm0, $0xb8;
	[tilespmem:$0x10080] =	vst v63  }
0x63: {  	v3 =	vadd.s32 v1, v3;
	s23 =	simm.s32 $0xD080  }
0x64: {  	[tilespmem:s23], [sflag:$0x2] =	stream.indirect_vreg.gather [hbm4b:s6+s3], $0x80, v4, vm0, $0xb8;
	[tilespmem:$0x10080] =	vst v63  }
0x65: {  	s23 =	simm.s32 $0xD880  }
0x66: {  	[tilespmem:s23], [sflag:$0x2] =	stream.indirect_vreg.gather [hbm4b:s7+s3], $0x80, v4, vm0, $0xb8;
	[tilespmem:$0x10080] =	vst v63  }
0x67: {  	s23 =	simm.s32 $0xE080  }
0x68: {  	[tilespmem:s23], [sflag:$0x2] =	stream.indirect_vreg.gather [hbm4b:s2+s3], $0x80, v3, vm0, $0xb8;
	[tilespmem:$0x10080] =	vst v63  }
0x69: {  	s23 =	simm.s32 $0xE880  }
0x6a: {  	[tilespmem:s23], [sflag:$0x2] =	stream.indirect_vreg.gather [hbm4b:s5+s3], $0x80, v3, vm0, $0xb8;
	[tilespmem:$0x10080] =	vst v63  }
0x6b: {  	s23 =	simm.s32 $0xF080  }
0x6c: {  	[tilespmem:s23], [sflag:$0x2] =	stream.indirect_vreg.gather [hbm4b:s6+s3], $0x80, v3, vm0, $0xb8;
	[tilespmem:$0x10080] =	vst v63  }
0x6d: {  	s23 =	simm.s32 $0xF880  }
0x6e: {  	[tilespmem:s23], [sflag:$0x2] =	stream.indirect_vreg.gather [hbm4b:s7+s3], $0x80, v3, vm0, $0xb8;
	[tilespmem:$0x10080] =	vst v63  }
0x6f: {  	_ =	swait.ge [sflag:s9], $0x8000  }
0x70: {  	[sflag:s9] =	ssyncset.done $0x0  }
0x71: {  	s23 =	rddreg [dreg:$0x8];
	[sflag:s9] =	ssyncadd.s32 $0xFFFF8000  }
0x72: {  	[hbm4b:s23+s3] =	stream.linear.scatter [tilespmem:s26], [sflag:$0x3], $0x8000, $0x38;
	[tilespmem:$0x10080] =	vst v63  }
0x73: {  	_ =	swait.ge [sflag:s21], $0x8000  }
0x74: {  	[sflag:s21] =	ssyncset.done $0x0  }
0x75: {  	[sflag:s21] =	ssyncadd.s32 $0xFFFF8000  }
0x76: {  	v3 =	vld [tilespmem:$0x40];
	_ =	sdelay $0x4  }
0x77: {  	v60 =	vshll.u32 v3, $0x3  }
0x78: {  	v3 =	vand.u32 $0x7, v3;
	v4 =	vand.u32 $0xFFFFFFC0, v60  }
0x79: {  	v3 =	vor.u32 v3, v4  }
0x7a: {  	v4 =	vperm.xlane v3, v0;
	_ =	sdelay $0x1  }
0x7b: {  	v4 =	vadd.s32 v1, v4;
	_ =	sdelay $0x4  }
0x7c: {  	[tilespmem:s26], [sflag:$0x1] =	stream.indirect_vreg.gather [hbm4b:s2+s3], $0x80, v4, vm0, $0xb8;
	[tilespmem:$0x10080] =	vst v63  }
0x7d: {  	v3 =	vperm.xlane v3, v2  }
0x7e: {  	[tilespmem:s24], [sflag:$0x1] =	stream.indirect_vreg.gather [hbm4b:s5+s3], $0x80, v4, vm0, $0xb8;
	[tilespmem:$0x10080] =	vst v63  }
0x7f: {  	v3 =	vadd.s32 v1, v3  }
0x80: {  	[tilespmem:s25], [sflag:$0x1] =	stream.indirect_vreg.gather [hbm4b:s6+s3], $0x80, v4, vm0, $0xb8;
	[tilespmem:$0x10080] =	vst v63  }
0x81: {  	_ = 	snop  }
0x82: {  	[tilespmem:s28], [sflag:$0x1] =	stream.indirect_vreg.gather [hbm4b:s7+s3], $0x80, v4, vm0, $0xb8;
	[tilespmem:$0x10080] =	vst v63  }
0x83: {  	_ = 	snop  }
0x84: {  	[tilespmem:s29], [sflag:$0x1] =	stream.indirect_vreg.gather [hbm4b:s2+s3], $0x80, v3, vm0, $0xb8;
	[tilespmem:$0x10080] =	vst v63  }
0x85: {  	_ = 	snop  }
0x86: {  	[tilespmem:s30], [sflag:$0x1] =	stream.indirect_vreg.gather [hbm4b:s5+s3], $0x80, v3, vm0, $0xb8;
	[tilespmem:$0x10080] =	vst v63  }
0x87: {  	_ = 	snop  }
0x88: {  	[tilespmem:s31], [sflag:$0x1] =	stream.indirect_vreg.gather [hbm4b:s6+s3], $0x80, v3, vm0, $0xb8;
	[tilespmem:$0x10080] =	vst v63  }
0x89: {  	_ = 	snop  }
0x8a: {  	[tilespmem:s0], [sflag:$0x1] =	stream.indirect_vreg.gather [hbm4b:s7+s3], $0x80, v3, vm0, $0xb8;
	[tilespmem:$0x10080] =	vst v63  }
0x8b: {  	v3 =	vld [tilespmem:$0x50];
	_ =	sdelay $0x4  }
0x8c: {  	v61 =	vshll.u32 v3, $0x3  }
0x8d: {  	v3 =	vand.u32 $0x7, v3;
	v4 =	vand.u32 $0xFFFFFFC0, v61  }
0x8e: {  	v3 =	vor.u32 v3, v4  }
0x8f: {  	v4 =	vperm.xlane v3, v0;
	_ =	sdelay $0x1  }
0x90: {  	v4 =	vadd.s32 v1, v4;
	_ =	sdelay $0x4  }
0x91: {  	[tilespmem:s1], [sflag:$0x1] =	stream.indirect_vreg.gather [hbm4b:s2+s3], $0x80, v4, vm0, $0xb8;
	[tilespmem:$0x10080] =	vst v63  }
0x92: {  	v3 =	vperm.xlane v3, v2  }
0x93: {  	[tilespmem:s11], [sflag:$0x1] =	stream.indirect_vreg.gather [hbm4b:s5+s3], $0x80, v4, vm0, $0xb8;
	[tilespmem:$0x10080] =	vst v63  }
0x94: {  	v3 =	vadd.s32 v1, v3  }
0x95: {  	[tilespmem:s12], [sflag:$0x1] =	stream.indirect_vreg.gather [hbm4b:s6+s3], $0x80, v4, vm0, $0xb8;
	[tilespmem:$0x10080] =	vst v63  }
0x96: {  	_ = 	snop  }
0x97: {  	[tilespmem:s13], [sflag:$0x1] =	stream.indirect_vreg.gather [hbm4b:s7+s3], $0x80, v4, vm0, $0xb8;
	[tilespmem:$0x10080] =	vst v63  }
0x98: {  	_ = 	snop  }
0x99: {  	[tilespmem:s14], [sflag:$0x1] =	stream.indirect_vreg.gather [hbm4b:s2+s3], $0x80, v3, vm0, $0xb8;
	[tilespmem:$0x10080] =	vst v63  }
0x9a: {  	_ = 	snop  }
0x9b: {  	[tilespmem:s15], [sflag:$0x1] =	stream.indirect_vreg.gather [hbm4b:s5+s3], $0x80, v3, vm0, $0xb8;
	[tilespmem:$0x10080] =	vst v63  }
0x9c: {  	_ = 	snop  }
0x9d: {  	[tilespmem:s16], [sflag:$0x1] =	stream.indirect_vreg.gather [hbm4b:s6+s3], $0x80, v3, vm0, $0xb8;
	[tilespmem:$0x10080] =	vst v63  }
0x9e: {  	_ = 	snop  }
0x9f: {  	[tilespmem:s17], [sflag:$0x1] =	stream.indirect_vreg.gather [hbm4b:s7+s3], $0x80, v3, vm0, $0xb8;
	[tilespmem:$0x10080] =	vst v63  }
0xa0: {  	_ =	swait.ge [sflag:s4], $0x8000  }
0xa1: {  	[sflag:s4] =	ssyncset.done $0x0  }
0xa2: {  	s0 =	rddreg [dreg:$0x5];
	[sflag:s4] =	ssyncadd.s32 $0xFFFF8000  }
0xa3: {  	[hbm4b:s0+s3] =	stream.linear.scatter [tilespmem:s20], [sflag:$0x4], $0x8000, $0x38;
	[tilespmem:$0x10080] =	vst v63  }
0xa4: {  	_ =	swait.ge [sflag:s22], $0x8000  }
0xa5: {  	[sflag:s22] =	ssyncset.done $0x0  }
0xa6: {  	[sflag:s22] =	ssyncadd.s32 $0xFFFF8000  }
0xa7: {  	v3 =	vld [tilespmem:$0x60];
	_ =	sdelay $0x4  }
0xa8: {  	v62 =	vshll.u32 v3, $0x3  }
0xa9: {  	v3 =	vand.u32 $0x7, v3;
	v4 =	vand.u32 $0xFFFFFFC0, v62  }
0xaa: {  	v3 =	vor.u32 v3, v4  }
0xab: {  	v4 =	vperm.xlane v3, v0;
	_ =	sdelay $0x1  }
0xac: {  	v4 =	vadd.s32 v1, v4;
	_ =	sdelay $0x4  }
0xad: {  	[tilespmem:s20], [sflag:$0x2] =	stream.indirect_vreg.gather [hbm4b:s2+s3], $0x80, v4, vm0, $0xb8;
	[tilespmem:$0x10080] =	vst v63  }
0xae: {  	v3 =	vperm.xlane v3, v2  }
0xaf: {  	[tilespmem:s18], [sflag:$0x2] =	stream.indirect_vreg.gather [hbm4b:s5+s3], $0x80, v4, vm0, $0xb8;
	[tilespmem:$0x10080] =	vst v63  }
0xb0: {  	v3 =	vadd.s32 v1, v3  }
0xb1: {  	[tilespmem:s19], [sflag:$0x2] =	stream.indirect_vreg.gather [hbm4b:s6+s3], $0x80, v4, vm0, $0xb8;
	[tilespmem:$0x10080] =	vst v63  }
0xb2: {  	s23 =	simm.s32 $0x9880  }
0xb3: {  	[tilespmem:s23], [sflag:$0x2] =	stream.indirect_vreg.gather [hbm4b:s7+s3], $0x80, v4, vm0, $0xb8;
	[tilespmem:$0x10080] =	vst v63  }
0xb4: {  	_ = 	snop  }
0xb5: {  	[tilespmem:s10], [sflag:$0x2] =	stream.indirect_vreg.gather [hbm4b:s2+s3], $0x80, v3, vm0, $0xb8;
	[tilespmem:$0x10080] =	vst v63  }
0xb6: {  	s23 =	simm.s32 $0xA880  }
0xb7: {  	[tilespmem:s23], [sflag:$0x2] =	stream.indirect_vreg.gather [hbm4b:s5+s3], $0x80, v3, vm0, $0xb8;
	[tilespmem:$0x10080] =	vst v63  }
0xb8: {  	s10 =	simm.s32 $0xB080  }
0xb9: {  	[tilespmem:s10], [sflag:$0x2] =	stream.indirect_vreg.gather [hbm4b:s6+s3], $0x80, v3, vm0, $0xb8;
	[tilespmem:$0x10080] =	vst v63  }
0xba: {  	s23 =	simm.s32 $0xB880  }
0xbb: {  	[tilespmem:s23], [sflag:$0x2] =	stream.indirect_vreg.gather [hbm4b:s7+s3], $0x80, v3, vm0, $0xb8;
	[tilespmem:$0x10080] =	vst v63  }
0xbc: {  	v3 =	vld [tilespmem:$0x70];
	_ =	sdelay $0x4  }
0xbd: {  	v63 =	vshll.u32 v3, $0x3  }
0xbe: {  	v3 =	vand.u32 $0x7, v3;
	v4 =	vand.u32 $0xFFFFFFC0, v63  }
0xbf: {  	v3 =	vor.u32 v3, v4  }
0xc0: {  	v4 =	vperm.xlane v3, v0;
	_ =	sdelay $0x1  }
0xc1: {  	v4 =	vadd.s32 v1, v4;
	_ =	sdelay $0x3  }
0xc2: {  	s10 =	simm.s32 $0xC080  }
0xc3: {  	[tilespmem:s10], [sflag:$0x2] =	stream.indirect_vreg.gather [hbm4b:s2+s3], $0x80, v4, vm0, $0xb8;
	[tilespmem:$0x10080] =	vst v63  }
0xc4: {  	s23 =	simm.s32 $0xC880;
	v3 =	vperm.xlane v3, v2  }
0xc5: {  	[tilespmem:s23], [sflag:$0x2] =	stream.indirect_vreg.gather [hbm4b:s5+s3], $0x80, v4, vm0, $0xb8;
	[tilespmem:$0x10080] =	vst v63  }
0xc6: {  	v3 =	vadd.s32 v1, v3;
	s10 =	simm.s32 $0xD080  }
0xc7: {  	[tilespmem:s10], [sflag:$0x2] =	stream.indirect_vreg.gather [hbm4b:s6+s3], $0x80, v4, vm0, $0xb8;
	[tilespmem:$0x10080] =	vst v63  }
0xc8: {  	s23 =	simm.s32 $0xD880  }
0xc9: {  	[tilespmem:s23], [sflag:$0x2] =	stream.indirect_vreg.gather [hbm4b:s7+s3], $0x80, v4, vm0, $0xb8;
	[tilespmem:$0x10080] =	vst v63  }
0xca: {  	s10 =	simm.s32 $0xE080  }
0xcb: {  	[tilespmem:s10], [sflag:$0x2] =	stream.indirect_vreg.gather [hbm4b:s2+s3], $0x80, v3, vm0, $0xb8;
	[tilespmem:$0x10080] =	vst v63  }
0xcc: {  	s23 =	simm.s32 $0xE880  }
0xcd: {  	[tilespmem:s23], [sflag:$0x2] =	stream.indirect_vreg.gather [hbm4b:s5+s3], $0x80, v3, vm0, $0xb8;
	[tilespmem:$0x10080] =	vst v63  }
0xce: {  	s10 =	simm.s32 $0xF080  }
0xcf: {  	[tilespmem:s10], [sflag:$0x2] =	stream.indirect_vreg.gather [hbm4b:s6+s3], $0x80, v3, vm0, $0xb8;
	[tilespmem:$0x10080] =	vst v63  }
0xd0: {  	s23 =	simm.s32 $0xF880  }
0xd1: {  	[tilespmem:s23], [sflag:$0x2] =	stream.indirect_vreg.gather [hbm4b:s7+s3], $0x80, v3, vm0, $0xb8;
	[tilespmem:$0x10080] =	vst v63  }
0xd2: {  	_ =	swait.ge [sflag:s9], $0x8000  }
0xd3: {  	[sflag:s9] =	ssyncset.done $0x0  }
0xd4: {  	s0 =	rddreg [dreg:$0x6];
	[sflag:s9] =	ssyncadd.s32 $0xFFFF8000  }
0xd5: {  	[hbm4b:s0+s3] =	stream.linear.scatter [tilespmem:s26], [sflag:$0x3], $0x8000, $0x38;
	[tilespmem:$0x10080] =	vst v63  }
0xd6: {  	_ =	swait.ge [sflag:s4], $0x8000  }
0xd7: {  	[sflag:s4] =	ssyncset.done $0x0  }
0xd8: {  	s10 =	rddreg [dreg:$0x7];
	[sflag:s4] =	ssyncadd.s32 $0xFFFF8000  }
0xd9: {  	[hbm4b:s10+s3] =	stream.linear.scatter [tilespmem:s20], [sflag:$0x4], $0x8000, $0x38;
	[tilespmem:$0x10080] =	vst v63  }
0xda: {  	p0 =	sne.s32 s8, $0x1;
	_ =	swait.ge [sflag:s21], $0x8000  }
.Ltmp0:
0xdb: {  	[sflag:s21] =	ssyncset.done $0x0;
	(pc) =	sbr.rel @p0 .LBB2_1-.Ltmp0, $4  }
0xdc: {  	[sflag:s21] =	ssyncadd.s32 $0xFFFF8000  }
0xdd: {  	_ =	swait.ge [sflag:s22], $0x8000  }
0xde: {  	[sflag:s22] =	ssyncset.done $0x0  }
0xdf: {  	s8 =	sadd.s32 $0xFFFFFFFF, s8;
	[sflag:s22] =	ssyncadd.s32 $0xFFFF8000  }
0xe0: {  	_ =	sfence.sel $0x180000  }
0xe1: {  	[bflag:$0x0] =	sbarrier.arrive $0xFFFF  }
0xe2: {  	_ =	strace $0x90000047  }
0xe3: {  	s0 =	stileid.u32;
	[bflag:$0x2] =	sbarrier.arrive $0xFFFF  }
0xe4: {  	p0 =	sne.s32 s0, $0x0;
	s0 =	rddreg [dreg:$0x3]  }
0xe5: {  	s0 =	sadd.s32 @!p0 $0x100000, s0  }
0xe6: {  	[sflag:s0] =	ssyncadd.tile.s32 @!p0 $0x1;
	_ =	shalt  }
.Lfunc_end2:
_tile_overlayer_lowered:
.L_overlay_start_2:
0xe7: {  	(tag) =	ssettag $0x2  }
0xe8: {  	s0 =	rddreg [dreg:$0x0];
	s2 =	stileid.u32  }
0xe9: {  	s1 =	rddreg [dreg:$0x1];
	p0 =	sne.s32 s2, $0x0  }
0xea: {  	s3 =	rddreg [dreg:$0x2];
	[bflag:$0x3] =	sbarrier.arrive $0xFFFF;
	s2 =	simm.s32 @!p0 $0x1C05  }
0xeb: {  	[timem:s3], [sflag:s2] =	dma.local @!p0 [hbm:s0], s1  }
0xec: {  	s0 =	simm.s32 @!p0 $0x5  }
0xed: {  	_ =	swait.ge @!p0 [sflag:s0], s1  }
0xee: {  	s1 =	ssub.s32 @!p0 $0x0, s1;
	[sflag:s0] =	ssyncset.done @!p0 $0x0  }
0xef: {  	[sflag:s0] =	ssyncadd.s32 @!p0 s1  }
0xf0: {  	[bflag:$0x3] =	sbarrier.arrive $0xFFFF  }
0xf1: {  	_ =	shalt  }

</sc_bundles>
